<compile_context>
chip_gen: v7x
topology: tpu7x:2x2x1
jax: 0.10.2.dev20260603
libtpu: 0.0.44.dev20260713+nightly
codegen_flags: <defaults>
</compile_context>

<pallas_src>
import functools

import jax
import jax.numpy as jnp
from jax import lax
from jax.experimental import pallas as pl
from jax.experimental.pallas import tpu as pltpu
from jax.experimental.pallas import tpu_sc as plsc

NUM_TEAMS = 100000
EMBED_DIM = 128
BATCH = 16384
FEAT2 = 2 * EMBED_DIM
N_WORKERS = 32
ROWS_PER_W = BATCH // N_WORKERS
CHUNK = 128
N_CHUNKS = ROWS_PER_W // CHUNK
N_UNITS = 2 * N_CHUNKS
NBUF = 6
EPS = 1e-5

N_TC_CHUNKS = 4
CROWS = BATCH // N_TC_CHUNKS
CROWS128 = CROWS // 128


def _sc_gather_body(table, idx1, idx2, feats, idx_v, bufs, *sems):
    gsems = sems[:NBUF]
    wsems = sems[NBUF:]
    wid = lax.axis_index("s") * 2 + lax.axis_index("c")
    base = wid * ROWS_PER_W
    irow = wid * N_CHUNKS
    pltpu.sync_copy(idx1.at[pl.ds(irow, N_CHUNKS)], idx_v.at[pl.ds(0, N_CHUNKS)])
    pltpu.sync_copy(
        idx2.at[pl.ds(irow, N_CHUNKS)], idx_v.at[pl.ds(N_CHUNKS, N_CHUNKS)]
    )

    def buf_at(u):
        return bufs.at[pl.ds((u % NBUF) * CHUNK, CHUNK)]

    def feats_at(u):
        half, j = divmod(u, N_CHUNKS)
        return feats.at[
            pl.ds(base + j * CHUNK, CHUNK), pl.ds(half * EMBED_DIM, EMBED_DIM)
        ]

    gathers = {}
    writes = {}
    for u in range(min(NBUF, N_UNITS)):
        gathers[u] = pltpu.async_copy(table.at[idx_v.at[u]], buf_at(u), gsems[u % NBUF])
    for u in range(N_UNITS):
        gathers[u].wait()
        writes[u] = pltpu.async_copy(buf_at(u), feats_at(u), wsems[u % NBUF])
        if u + NBUF < N_UNITS:
            writes[u].wait()
            gathers[u + NBUF] = pltpu.async_copy(
                table.at[idx_v.at[u + NBUF]], buf_at(u + NBUF), gsems[(u + NBUF) % NBUF]
            )
    for u in range(max(0, N_UNITS - NBUF), N_UNITS):
        writes[u].wait()


_sc_gather = functools.partial(
    pl.kernel,
    mesh=plsc.VectorSubcoreMesh(core_axis_name="c", subcore_axis_name="s"),
    out_type=jax.ShapeDtypeStruct((BATCH, FEAT2), jnp.float32),
    scratch_types=[
        pltpu.VMEM((N_UNITS, CHUNK), jnp.int32),
        pltpu.VMEM((NBUF * CHUNK, EMBED_DIM), jnp.float32),
    ]
    + [pltpu.SemaphoreType.DMA] * (2 * NBUF),
)(_sc_gather_body)


def _tc_bn_body(feats_hbm, s2d_ref, gamma_ref, beta_ref, w_ref, b_ref, out_ref, x_ref, z_ref, sems):
    copies = []
    for i in range(N_TC_CHUNKS):
        cp = pltpu.make_async_copy(
            feats_hbm.at[pl.ds(i * CROWS128, CROWS128)],
            x_ref.at[pl.ds(i * CROWS128, CROWS128)],
            sems.at[i],
        )
        cp.start()
        copies.append(cp)
    wv = w_ref[0, :]
    gw = gamma_ref[...] * wv
    bconst = b_ref[0] + jnp.sum(beta_ref[...] * wv)
    ssum = jnp.zeros((FEAT2,), jnp.float32)
    ssq = jnp.zeros((FEAT2,), jnp.float32)
    for i in range(N_TC_CHUNKS):
        copies[i].wait()
        x = x_ref[pl.ds(i * CROWS128, CROWS128)]
        ssum = ssum + jnp.sum(jnp.sum(x, axis=0), axis=0)
        ssq = ssq + jnp.sum(jnp.sum(x * x, axis=0), axis=0)
    s = s2d_ref[...]
    inv_n = 1.0 / BATCH
    smean = jnp.sum(s) * inv_n
    svar = jnp.sum(s * s) * inv_n - smean * smean
    mean = ssum * inv_n
    var = ssq * inv_n - mean * mean
    c = gw[:FEAT2] * lax.rsqrt(var + EPS)
    cs = gw[FEAT2] * lax.rsqrt(svar + EPS)
    const = bconst - jnp.sum(c * mean) - cs * smean
    for i in range(N_TC_CHUNKS):
        x = x_ref[pl.ds(i * CROWS128, CROWS128)]
        z_ref[pl.ds(i * CROWS128, CROWS128), :] = jnp.sum(x * c, axis=2)
    zz = z_ref[...] + s * cs + const
    out_ref[...] = jax.nn.sigmoid(zz)


def _tc_bn(feats3, s2d, gamma, beta, W, b):
    return pl.pallas_call(
        _tc_bn_body,
        in_specs=[
            pl.BlockSpec(memory_space=pltpu.MemorySpace.HBM),
            pl.BlockSpec(memory_space=pltpu.VMEM),
            pl.BlockSpec(memory_space=pltpu.VMEM),
            pl.BlockSpec(memory_space=pltpu.VMEM),
            pl.BlockSpec(memory_space=pltpu.VMEM),
            pl.BlockSpec(memory_space=pltpu.VMEM),
        ],
        out_specs=pl.BlockSpec(memory_space=pltpu.VMEM),
        out_shape=jax.ShapeDtypeStruct((128, 128), jnp.float32),
        scratch_shapes=[
            pltpu.VMEM((128, 128, FEAT2), jnp.float32),
            pltpu.VMEM((128, 128), jnp.float32),
            pltpu.SemaphoreType.DMA((N_TC_CHUNKS,)),
        ],
    )(feats3, s2d, gamma, beta, W, b)


def kernel(idsTensor, table, gamma, beta, W, b):
    idx1 = idsTensor[:, 0].astype(jnp.int32).reshape(128, 128)
    idx2 = idsTensor[:, 1].astype(jnp.int32).reshape(128, 128)
    s2d = idsTensor[:, 2].reshape(128, 128)
    feats = _sc_gather(table, idx1, idx2)
    feats3 = feats.reshape(128, 128, FEAT2)
    out = _tc_bn(feats3, s2d, gamma, beta, W, b)
    return out.reshape(BATCH, 1)

# --- scband reference (transcript-rebuilt; emitter-appended) ---
"""Pipeline reference for scband-log-regs-model-7722351198211 (READ-ONLY COPY).

The authoritative reference and input builder live on the scoring server;
editing this copy changes nothing except your own understanding.
"""

import jax, jax.numpy as jnp
import numpy as np

NUM_TEAMS = 100000
EMBED_DIM = 128
BATCH = 16384
FEAT = EMBED_DIM * 2 + 1  # 257


def setup_inputs(seed: int = 0) -> dict:
    key = jax.random.key(seed)
    k1, k2, k3, k4, k5, k6 = jax.random.split(key, 6)
    # idsTensor: columns 0,1 are team ids (stored as float, cast to int inside forward),
    # column 2 is a float score_diff feature.
    ids = jax.random.randint(k1, (BATCH, 2), 0, NUM_TEAMS).astype(jnp.float32)
    score_diff = jax.random.normal(k2, (BATCH, 1), dtype=jnp.float32) * 10.0
    idsTensor = jnp.concatenate([ids, score_diff], axis=1)
    table = jax.random.normal(k3, (NUM_TEAMS, EMBED_DIM), dtype=jnp.float32)
    gamma = jnp.ones((FEAT,), dtype=jnp.float32)
    beta = jnp.zeros((FEAT,), dtype=jnp.float32)
    W = jax.random.normal(k4, (1, FEAT), dtype=jnp.float32) * (1.0 / np.sqrt(FEAT))
    b = jnp.zeros((1,), dtype=jnp.float32)
    return {"idsTensor": idsTensor, "table": table, "gamma": gamma, "beta": beta, "W": W, "b": b}


def reference(idsTensor, table, gamma, beta, W, b):
    idx1 = idsTensor[:, 0].astype(jnp.int32)
    idx2 = idsTensor[:, 1].astype(jnp.int32)
    team1 = jnp.take(table, idx1, axis=0)
    team2 = jnp.take(table, idx2, axis=0)
    score_diff = idsTensor[:, 2:3]
    features = jnp.concatenate([team1, team2, score_diff], axis=1)
    # BatchNorm1d (training-mode forward: batch statistics), eps=1e-5
    mean = jnp.mean(features, axis=0)
    var = jnp.var(features, axis=0)
    features = (features - mean) / jnp.sqrt(var + 1e-5)
    features = features * gamma + beta
    # Dropout is identity in deterministic/eval reference
    logits = features @ W.T + b
    return jax.nn.sigmoid(logits)

if __name__ == "__main__":
    import jax
    _d = setup_inputs()
    print(jax.jit(kernel)(*tuple(_d.values())))

</pallas_src>

<mosaic_0001>
#map = affine_map<(d0, d1) -> (0, 0)>
module attributes {stable_mosaic.version = 14 : i64} {
  func.func @_sc_gather_body(%arg0: i32, %arg1: i32, %arg2: memref<100000x128xf32, #tpu.memory_space<hbm>>, %arg3: memref<128x128xi32, #tpu.memory_space<hbm>>, %arg4: memref<128x128xi32, #tpu.memory_space<hbm>>, %arg5: memref<16384x256xf32, #tpu.memory_space<hbm>>, %arg6: memref<8x128xi32, #tpu.memory_space<vmem>>, %arg7: memref<768x128xf32, #tpu.memory_space<vmem>>, %arg8: memref<!tpu.dma_semaphore, #tpu.memory_space<semaphore_mem>>, %arg9: memref<!tpu.dma_semaphore, #tpu.memory_space<semaphore_mem>>, %arg10: memref<!tpu.dma_semaphore, #tpu.memory_space<semaphore_mem>>, %arg11: memref<!tpu.dma_semaphore, #tpu.memory_space<semaphore_mem>>, %arg12: memref<!tpu.dma_semaphore, #tpu.memory_space<semaphore_mem>>, %arg13: memref<!tpu.dma_semaphore, #tpu.memory_space<semaphore_mem>>, %arg14: memref<!tpu.dma_semaphore, #tpu.memory_space<semaphore_mem>>, %arg15: memref<!tpu.dma_semaphore, #tpu.memory_space<semaphore_mem>>, %arg16: memref<!tpu.dma_semaphore, #tpu.memory_space<semaphore_mem>>, %arg17: memref<!tpu.dma_semaphore, #tpu.memory_space<semaphore_mem>>, %arg18: memref<!tpu.dma_semaphore, #tpu.memory_space<semaphore_mem>>, %arg19: memref<!tpu.dma_semaphore, #tpu.memory_space<semaphore_mem>>) attributes {dimension_semantics = [#tpu.dimension_semantics<core_parallel>, #tpu.dimension_semantics<subcore_parallel>], iteration_bounds = array<i64: 2, 16>, scalar_prefetch = 0 : i64, scratch_operands = 14 : i64, tpu.core_type = #tpu.core_type<sc_vector_subcore>, window_params = [{transform_indices = #map}, {transform_indices = #map}, {transform_indices = #map}, {transform_indices = #map}]} {
    %mul3A = arith.constant 2 : i32
    %mul3A_0 = arith.muli %arg1, %mul3A : i32
    %add3A = arith.addi %mul3A_0, %arg0 : i32
    %mul3A_1 = arith.constant 512 : i32
    %mul3A_2 = arith.muli %add3A, %mul3A_1 : i32
    %mul3A_3 = arith.constant 4 : i32
    %mul3A_4 = arith.muli %add3A, %mul3A_3 : i32
    "tpu.region"() ({
      %run_scoped3A = tpu.sem_alloc : memref<!tpu.dma_semaphore, #tpu.memory_space<semaphore_mem>>
      %dma_start3A_339 = arith.constant 0 : i32
      %dma_start3A_340 = arith.constant 0 : i32
      %dma_start3A_341 = tpu.memref_slice %arg6[%dma_start3A_339, %dma_start3A_340] : memref<8x128xi32, #tpu.memory_space<vmem>> -> memref<4x128xi32, #tpu.memory_space<vmem>>
      %dma_start3A_342 = arith.constant 0 : i32
      %dma_start3A_343 = tpu.memref_slice %arg3[%mul3A_4, %dma_start3A_342] : memref<128x128xi32, #tpu.memory_space<hbm>> -> memref<4x128xi32, #tpu.memory_space<hbm>>
      %dma_start3A_344 = arith.constant 0 : i32
      %dma_start3A_345 = arith.constant 0 : i32
      %dma_start3A_346 = tpu.memref_slice %arg6[%dma_start3A_344, %dma_start3A_345] : memref<8x128xi32, #tpu.memory_space<vmem>> -> memref<4x128xi32, #tpu.memory_space<vmem>>
      %dma_start3A_347 = arith.constant 0 : i32
      %dma_start3A_348 = tpu.memref_slice %arg3[%mul3A_4, %dma_start3A_347] : memref<128x128xi32, #tpu.memory_space<hbm>> -> memref<4x128xi32, #tpu.memory_space<hbm>>
      tpu.enqueue_dma source(%dma_start3A_348 : memref<4x128xi32, #tpu.memory_space<hbm>>) target(%dma_start3A_346 : memref<4x128xi32, #tpu.memory_space<vmem>>) target_semaphore(%run_scoped3A : memref<!tpu.dma_semaphore, #tpu.memory_space<semaphore_mem>>)
      %dma_wait3A_349 = arith.constant 0 : i32
      %dma_wait3A_350 = arith.constant 0 : i32
      %dma_wait3A_351 = tpu.memref_slice %arg6[%dma_wait3A_349, %dma_wait3A_350] : memref<8x128xi32, #tpu.memory_space<vmem>> -> memref<4x128xi32, #tpu.memory_space<vmem>>
      %dma_wait3A_352 = arith.constant 0 : i32
      %dma_wait3A_353 = tpu.memref_slice %arg3[%mul3A_4, %dma_wait3A_352] : memref<128x128xi32, #tpu.memory_space<hbm>> -> memref<4x128xi32, #tpu.memory_space<hbm>>
      %dma_wait3A_354 = arith.constant 0 : i32
      %dma_wait3A_355 = arith.constant 0 : i32
      %dma_wait3A_356 = tpu.memref_slice %arg6[%dma_wait3A_354, %dma_wait3A_355] : memref<8x128xi32, #tpu.memory_space<vmem>> -> memref<4x128xi32, #tpu.memory_space<vmem>>
      %dma_wait3A_357 = arith.constant 0 : i32
      %dma_wait3A_358 = tpu.memref_slice %arg3[%mul3A_4, %dma_wait3A_357] : memref<128x128xi32, #tpu.memory_space<hbm>> -> memref<4x128xi32, #tpu.memory_space<hbm>>
      tpu.wait_dma2 semaphore(%run_scoped3A : memref<!tpu.dma_semaphore, #tpu.memory_space<semaphore_mem>>) src(%dma_wait3A_358 : memref<4x128xi32, #tpu.memory_space<hbm>>) dst(%dma_wait3A_356 : memref<4x128xi32, #tpu.memory_space<vmem>>)
      tpu.yield
    }) : () -> ()
    "tpu.region"() ({
      %run_scoped3A = tpu.sem_alloc : memref<!tpu.dma_semaphore, #tpu.memory_space<semaphore_mem>>
      %dma_start3A_339 = arith.constant 4 : i32
      %dma_start3A_340 = arith.constant 0 : i32
      %dma_start3A_341 = tpu.memref_slice %arg6[%dma_start3A_339, %dma_start3A_340] : memref<8x128xi32, #tpu.memory_space<vmem>> -> memref<4x128xi32, #tpu.memory_space<vmem>>
      %dma_start3A_342 = arith.constant 0 : i32
      %dma_start3A_343 = tpu.memref_slice %arg4[%mul3A_4, %dma_start3A_342] : memref<128x128xi32, #tpu.memory_space<hbm>> -> memref<4x128xi32, #tpu.memory_space<hbm>>
      %dma_start3A_344 = arith.constant 4 : i32
      %dma_start3A_345 = arith.constant 0 : i32
      %dma_start3A_346 = tpu.memref_slice %arg6[%dma_start3A_344, %dma_start3A_345] : memref<8x128xi32, #tpu.memory_space<vmem>> -> memref<4x128xi32, #tpu.memory_space<vmem>>
      %dma_start3A_347 = arith.constant 0 : i32
      %dma_start3A_348 = tpu.memref_slice %arg4[%mul3A_4, %dma_start3A_347] : memref<128x128xi32, #tpu.memory_space<hbm>> -> memref<4x128xi32, #tpu.memory_space<hbm>>
      tpu.enqueue_dma source(%dma_start3A_348 : memref<4x128xi32, #tpu.memory_space<hbm>>) target(%dma_start3A_346 : memref<4x128xi32, #tpu.memory_space<vmem>>) target_semaphore(%run_scoped3A : memref<!tpu.dma_semaphore, #tpu.memory_space<semaphore_mem>>)
      %dma_wait3A_349 = arith.constant 4 : i32
      %dma_wait3A_350 = arith.constant 0 : i32
      %dma_wait3A_351 = tpu.memref_slice %arg6[%dma_wait3A_349, %dma_wait3A_350] : memref<8x128xi32, #tpu.memory_space<vmem>> -> memref<4x128xi32, #tpu.memory_space<vmem>>
      %dma_wait3A_352 = arith.constant 0 : i32
      %dma_wait3A_353 = tpu.memref_slice %arg4[%mul3A_4, %dma_wait3A_352] : memref<128x128xi32, #tpu.memory_space<hbm>> -> memref<4x128xi32, #tpu.memory_space<hbm>>
      %dma_wait3A_354 = arith.constant 4 : i32
      %dma_wait3A_355 = arith.constant 0 : i32
      %dma_wait3A_356 = tpu.memref_slice %arg6[%dma_wait3A_354, %dma_wait3A_355] : memref<8x128xi32, #tpu.memory_space<vmem>> -> memref<4x128xi32, #tpu.memory_space<vmem>>
      %dma_wait3A_357 = arith.constant 0 : i32
      %dma_wait3A_358 = tpu.memref_slice %arg4[%mul3A_4, %dma_wait3A_357] : memref<128x128xi32, #tpu.memory_space<hbm>> -> memref<4x128xi32, #tpu.memory_space<hbm>>
      tpu.wait_dma2 semaphore(%run_scoped3A : memref<!tpu.dma_semaphore, #tpu.memory_space<semaphore_mem>>) src(%dma_wait3A_358 : memref<4x128xi32, #tpu.memory_space<hbm>>) dst(%dma_wait3A_356 : memref<4x128xi32, #tpu.memory_space<vmem>>)
      tpu.yield
    }) : () -> ()
    %dma_start3A = arith.constant 0 : i32
    %dma_start3A_5 = arith.constant 0 : i32
    %dma_start3A_6 = arith.constant 0 : i32
    %dma_start3A_7 = tpu.memref_slice %arg7[%dma_start3A_5, %dma_start3A_6] : memref<768x128xf32, #tpu.memory_space<vmem>> -> memref<128x128xf32, #tpu.memory_space<vmem>>
    %dma_start3A_8 = arith.constant 0 : i32
    %dma_start3A_9 = tpu.memref_slice %arg6[%dma_start3A, %dma_start3A_8] : memref<8x128xi32, #tpu.memory_space<vmem>> -> memref<1x128xi32, #tpu.memory_space<vmem>>
    %dma_start3A_10 = tpu.memref_squeeze %dma_start3A_9 : memref<1x128xi32, #tpu.memory_space<vmem>> -> memref<128xi32, #tpu.memory_space<vmem>>
    %dma_start3A_11 = arith.constant 0 : i32
    %dma_start3A_12 = arith.constant 0 : i32
    %dma_start3A_13 = tpu.memref_slice %arg2[%dma_start3A_11, %dma_start3A_12] : memref<100000x128xf32, #tpu.memory_space<hbm>> -> memref<100000x128xf32, #tpu.memory_space<hbm>>
    tpu.enqueue_indirect_dma source(%dma_start3A_13 : memref<100000x128xf32, #tpu.memory_space<hbm>>) target(%dma_start3A_7 : memref<128x128xf32, #tpu.memory_space<vmem>>) offsets(%dma_start3A_10 : memref<128xi32, #tpu.memory_space<vmem>>) semaphore(%arg8 : memref<!tpu.dma_semaphore, #tpu.memory_space<semaphore_mem>>)
    %dma_start3A_14 = arith.constant 1 : i32
    %dma_start3A_15 = arith.constant 128 : i32
    %dma_start3A_16 = arith.constant 0 : i32
    %dma_start3A_17 = tpu.memref_slice %arg7[%dma_start3A_15, %dma_start3A_16] : memref<768x128xf32, #tpu.memory_space<vmem>> -> memref<128x128xf32, #tpu.memory_space<vmem>>
    %dma_start3A_18 = arith.constant 0 : i32
    %dma_start3A_19 = tpu.memref_slice %arg6[%dma_start3A_14, %dma_start3A_18] : memref<8x128xi32, #tpu.memory_space<vmem>> -> memref<1x128xi32, #tpu.memory_space<vmem>>
    %dma_start3A_20 = tpu.memref_squeeze %dma_start3A_19 : memref<1x128xi32, #tpu.memory_space<vmem>> -> memref<128xi32, #tpu.memory_space<vmem>>
    %dma_start3A_21 = arith.constant 0 : i32
    %dma_start3A_22 = arith.constant 0 : i32
    %dma_start3A_23 = tpu.memref_slice %arg2[%dma_start3A_21, %dma_start3A_22] : memref<100000x128xf32, #tpu.memory_space<hbm>> -> memref<100000x128xf32, #tpu.memory_space<hbm>>
    tpu.enqueue_indirect_dma source(%dma_start3A_23 : memref<100000x128xf32, #tpu.memory_space<hbm>>) target(%dma_start3A_17 : memref<128x128xf32, #tpu.memory_space<vmem>>) offsets(%dma_start3A_20 : memref<128xi32, #tpu.memory_space<vmem>>) semaphore(%arg9 : memref<!tpu.dma_semaphore, #tpu.memory_space<semaphore_mem>>)
    %dma_start3A_24 = arith.constant 2 : i32
    %dma_start3A_25 = arith.constant 256 : i32
    %dma_start3A_26 = arith.constant 0 : i32
    %dma_start3A_27 = tpu.memref_slice %arg7[%dma_start3A_25, %dma_start3A_26] : memref<768x128xf32, #tpu.memory_space<vmem>> -> memref<128x128xf32, #tpu.memory_space<vmem>>
    %dma_start3A_28 = arith.constant 0 : i32
    %dma_start3A_29 = tpu.memref_slice %arg6[%dma_start3A_24, %dma_start3A_28] : memref<8x128xi32, #tpu.memory_space<vmem>> -> memref<1x128xi32, #tpu.memory_space<vmem>>
    %dma_start3A_30 = tpu.memref_squeeze %dma_start3A_29 : memref<1x128xi32, #tpu.memory_space<vmem>> -> memref<128xi32, #tpu.memory_space<vmem>>
    %dma_start3A_31 = arith.constant 0 : i32
    %dma_start3A_32 = arith.constant 0 : i32
    %dma_start3A_33 = tpu.memref_slice %arg2[%dma_start3A_31, %dma_start3A_32] : memref<100000x128xf32, #tpu.memory_space<hbm>> -> memref<100000x128xf32, #tpu.memory_space<hbm>>
    tpu.enqueue_indirect_dma source(%dma_start3A_33 : memref<100000x128xf32, #tpu.memory_space<hbm>>) target(%dma_start3A_27 : memref<128x128xf32, #tpu.memory_space<vmem>>) offsets(%dma_start3A_30 : memref<128xi32, #tpu.memory_space<vmem>>) semaphore(%arg10 : memref<!tpu.dma_semaphore, #tpu.memory_space<semaphore_mem>>)
    %dma_start3A_34 = arith.constant 3 : i32
    %dma_start3A_35 = arith.constant 384 : i32
    %dma_start3A_36 = arith.constant 0 : i32
    %dma_start3A_37 = tpu.memref_slice %arg7[%dma_start3A_35, %dma_start3A_36] : memref<768x128xf32, #tpu.memory_space<vmem>> -> memref<128x128xf32, #tpu.memory_space<vmem>>
    %dma_start3A_38 = arith.constant 0 : i32
    %dma_start3A_39 = tpu.memref_slice %arg6[%dma_start3A_34, %dma_start3A_38] : memref<8x128xi32, #tpu.memory_space<vmem>> -> memref<1x128xi32, #tpu.memory_space<vmem>>
    %dma_start3A_40 = tpu.memref_squeeze %dma_start3A_39 : memref<1x128xi32, #tpu.memory_space<vmem>> -> memref<128xi32, #tpu.memory_space<vmem>>
    %dma_start3A_41 = arith.constant 0 : i32
    %dma_start3A_42 = arith.constant 0 : i32
    %dma_start3A_43 = tpu.memref_slice %arg2[%dma_start3A_41, %dma_start3A_42] : memref<100000x128xf32, #tpu.memory_space<hbm>> -> memref<100000x128xf32, #tpu.memory_space<hbm>>
    tpu.enqueue_indirect_dma source(%dma_start3A_43 : memref<100000x128xf32, #tpu.memory_space<hbm>>) target(%dma_start3A_37 : memref<128x128xf32, #tpu.memory_space<vmem>>) offsets(%dma_start3A_40 : memref<128xi32, #tpu.memory_space<vmem>>) semaphore(%arg11 : memref<!tpu.dma_semaphore, #tpu.memory_space<semaphore_mem>>)
    %dma_start3A_44 = arith.constant 4 : i32
    %dma_start3A_45 = arith.constant 512 : i32
    %dma_start3A_46 = arith.constant 0 : i32
    %dma_start3A_47 = tpu.memref_slice %arg7[%dma_start3A_45, %dma_start3A_46] : memref<768x128xf32, #tpu.memory_space<vmem>> -> memref<128x128xf32, #tpu.memory_space<vmem>>
    %dma_start3A_48 = arith.constant 0 : i32
    %dma_start3A_49 = tpu.memref_slice %arg6[%dma_start3A_44, %dma_start3A_48] : memref<8x128xi32, #tpu.memory_space<vmem>> -> memref<1x128xi32, #tpu.memory_space<vmem>>
    %dma_start3A_50 = tpu.memref_squeeze %dma_start3A_49 : memref<1x128xi32, #tpu.memory_space<vmem>> -> memref<128xi32, #tpu.memory_space<vmem>>
    %dma_start3A_51 = arith.constant 0 : i32
    %dma_start3A_52 = arith.constant 0 : i32
    %dma_start3A_53 = tpu.memref_slice %arg2[%dma_start3A_51, %dma_start3A_52] : memref<100000x128xf32, #tpu.memory_space<hbm>> -> memref<100000x128xf32, #tpu.memory_space<hbm>>
    tpu.enqueue_indirect_dma source(%dma_start3A_53 : memref<100000x128xf32, #tpu.memory_space<hbm>>) target(%dma_start3A_47 : memref<128x128xf32, #tpu.memory_space<vmem>>) offsets(%dma_start3A_50 : memref<128xi32, #tpu.memory_space<vmem>>) semaphore(%arg12 : memref<!tpu.dma_semaphore, #tpu.memory_space<semaphore_mem>>)
    %dma_start3A_54 = arith.constant 5 : i32
    %dma_start3A_55 = arith.constant 640 : i32
    %dma_start3A_56 = arith.constant 0 : i32
    %dma_start3A_57 = tpu.memref_slice %arg7[%dma_start3A_55, %dma_start3A_56] : memref<768x128xf32, #tpu.memory_space<vmem>> -> memref<128x128xf32, #tpu.memory_space<vmem>>
    %dma_start3A_58 = arith.constant 0 : i32
    %dma_start3A_59 = tpu.memref_slice %arg6[%dma_start3A_54, %dma_start3A_58] : memref<8x128xi32, #tpu.memory_space<vmem>> -> memref<1x128xi32, #tpu.memory_space<vmem>>
    %dma_start3A_60 = tpu.memref_squeeze %dma_start3A_59 : memref<1x128xi32, #tpu.memory_space<vmem>> -> memref<128xi32, #tpu.memory_space<vmem>>
    %dma_start3A_61 = arith.constant 0 : i32
    %dma_start3A_62 = arith.constant 0 : i32
    %dma_start3A_63 = tpu.memref_slice %arg2[%dma_start3A_61, %dma_start3A_62] : memref<100000x128xf32, #tpu.memory_space<hbm>> -> memref<100000x128xf32, #tpu.memory_space<hbm>>
    tpu.enqueue_indirect_dma source(%dma_start3A_63 : memref<100000x128xf32, #tpu.memory_space<hbm>>) target(%dma_start3A_57 : memref<128x128xf32, #tpu.memory_space<vmem>>) offsets(%dma_start3A_60 : memref<128xi32, #tpu.memory_space<vmem>>) semaphore(%arg13 : memref<!tpu.dma_semaphore, #tpu.memory_space<semaphore_mem>>)
    %dma_wait3A = arith.constant 0 : i32
    %dma_wait3A_64 = arith.constant 0 : i32
    %dma_wait3A_65 = arith.constant 0 : i32
    %dma_wait3A_66 = tpu.memref_slice %arg7[%dma_wait3A_64, %dma_wait3A_65] : memref<768x128xf32, #tpu.memory_space<vmem>> -> memref<128x128xf32, #tpu.memory_space<vmem>>
    %dma_wait3A_67 = arith.constant 0 : i32
    %dma_wait3A_68 = tpu.memref_slice %arg6[%dma_wait3A, %dma_wait3A_67] : memref<8x128xi32, #tpu.memory_space<vmem>> -> memref<1x128xi32, #tpu.memory_space<vmem>>
    %dma_wait3A_69 = tpu.memref_squeeze %dma_wait3A_68 : memref<1x128xi32, #tpu.memory_space<vmem>> -> memref<128xi32, #tpu.memory_space<vmem>>
    %dma_wait3A_70 = arith.constant 0 : i32
    %dma_wait3A_71 = arith.constant 0 : i32
    %dma_wait3A_72 = tpu.memref_slice %arg2[%dma_wait3A_70, %dma_wait3A_71] : memref<100000x128xf32, #tpu.memory_space<hbm>> -> memref<100000x128xf32, #tpu.memory_space<hbm>>
    tpu.wait_indirect_dma semaphore(%arg8 : memref<!tpu.dma_semaphore, #tpu.memory_space<semaphore_mem>>) src(%dma_wait3A_72 : memref<100000x128xf32, #tpu.memory_space<hbm>>) dst(%dma_wait3A_66 : memref<128x128xf32, #tpu.memory_space<vmem>>)
    %add3A_73 = arith.constant 0 : i32
    %add3A_74 = arith.addi %mul3A_2, %add3A_73 : i32
    %dma_start3A_75 = arith.constant 0 : i32
    %dma_start3A_76 = arith.constant 0 : i32
    %dma_start3A_77 = tpu.memref_slice %arg7[%dma_start3A_75, %dma_start3A_76] : memref<768x128xf32, #tpu.memory_space<vmem>> -> memref<128x128xf32, #tpu.memory_space<vmem>>
    %dma_start3A_78 = arith.constant 0 : i32
    %dma_start3A_79 = tpu.memref_slice %arg5[%add3A_74, %dma_start3A_78] : memref<16384x256xf32, #tpu.memory_space<hbm>> -> memref<128x128xf32, #tpu.memory_space<hbm>>
    %dma_start3A_80 = arith.constant 0 : i32
    %dma_start3A_81 = tpu.memref_slice %arg5[%add3A_74, %dma_start3A_80] : memref<16384x256xf32, #tpu.memory_space<hbm>> -> memref<128x128xf32, #tpu.memory_space<hbm>>
    %dma_start3A_82 = arith.constant 0 : i32
    %dma_start3A_83 = arith.constant 0 : i32
    %dma_start3A_84 = tpu.memref_slice %arg7[%dma_start3A_82, %dma_start3A_83] : memref<768x128xf32, #tpu.memory_space<vmem>> -> memref<128x128xf32, #tpu.memory_space<vmem>>
    tpu.enqueue_dma source(%dma_start3A_84 : memref<128x128xf32, #tpu.memory_space<vmem>>) target(%dma_start3A_81 : memref<128x128xf32, #tpu.memory_space<hbm>>) target_semaphore(%arg14 : memref<!tpu.dma_semaphore, #tpu.memory_space<semaphore_mem>>)
    %dma_wait3A_85 = arith.constant 0 : i32
    %dma_wait3A_86 = arith.constant 0 : i32
    %dma_wait3A_87 = tpu.memref_slice %arg7[%dma_wait3A_85, %dma_wait3A_86] : memref<768x128xf32, #tpu.memory_space<vmem>> -> memref<128x128xf32, #tpu.memory_space<vmem>>
    %dma_wait3A_88 = arith.constant 0 : i32
    %dma_wait3A_89 = tpu.memref_slice %arg5[%add3A_74, %dma_wait3A_88] : memref<16384x256xf32, #tpu.memory_space<hbm>> -> memref<128x128xf32, #tpu.memory_space<hbm>>
    %dma_wait3A_90 = arith.constant 0 : i32
    %dma_wait3A_91 = tpu.memref_slice %arg5[%add3A_74, %dma_wait3A_90] : memref<16384x256xf32, #tpu.memory_space<hbm>> -> memref<128x128xf32, #tpu.memory_space<hbm>>
    %dma_wait3A_92 = arith.constant 0 : i32
    %dma_wait3A_93 = arith.constant 0 : i32
    %dma_wait3A_94 = tpu.memref_slice %arg7[%dma_wait3A_92, %dma_wait3A_93] : memref<768x128xf32, #tpu.memory_space<vmem>> -> memref<128x128xf32, #tpu.memory_space<vmem>>
    tpu.wait_dma2 semaphore(%arg14 : memref<!tpu.dma_semaphore, #tpu.memory_space<semaphore_mem>>) src(%dma_wait3A_94 : memref<128x128xf32, #tpu.memory_space<vmem>>) dst(%dma_wait3A_91 : memref<128x128xf32, #tpu.memory_space<hbm>>)
    %dma_start3A_95 = arith.constant 6 : i32
    %dma_start3A_96 = arith.constant 0 : i32
    %dma_start3A_97 = arith.constant 0 : i32
    %dma_start3A_98 = tpu.memref_slice %arg7[%dma_start3A_96, %dma_start3A_97] : memref<768x128xf32, #tpu.memory_space<vmem>> -> memref<128x128xf32, #tpu.memory_space<vmem>>
    %dma_start3A_99 = arith.constant 0 : i32
    %dma_start3A_100 = tpu.memref_slice %arg6[%dma_start3A_95, %dma_start3A_99] : memref<8x128xi32, #tpu.memory_space<vmem>> -> memref<1x128xi32, #tpu.memory_space<vmem>>
    %dma_start3A_101 = tpu.memref_squeeze %dma_start3A_100 : memref<1x128xi32, #tpu.memory_space<vmem>> -> memref<128xi32, #tpu.memory_space<vmem>>
    %dma_start3A_102 = arith.constant 0 : i32
    %dma_start3A_103 = arith.constant 0 : i32
    %dma_start3A_104 = tpu.memref_slice %arg2[%dma_start3A_102, %dma_start3A_103] : memref<100000x128xf32, #tpu.memory_space<hbm>> -> memref<100000x128xf32, #tpu.memory_space<hbm>>
    tpu.enqueue_indirect_dma source(%dma_start3A_104 : memref<100000x128xf32, #tpu.memory_space<hbm>>) target(%dma_start3A_98 : memref<128x128xf32, #tpu.memory_space<vmem>>) offsets(%dma_start3A_101 : memref<128xi32, #tpu.memory_space<vmem>>) semaphore(%arg8 : memref<!tpu.dma_semaphore, #tpu.memory_space<semaphore_mem>>)
    %dma_wait3A_105 = arith.constant 1 : i32
    %dma_wait3A_106 = arith.constant 128 : i32
    %dma_wait3A_107 = arith.constant 0 : i32
    %dma_wait3A_108 = tpu.memref_slice %arg7[%dma_wait3A_106, %dma_wait3A_107] : memref<768x128xf32, #tpu.memory_space<vmem>> -> memref<128x128xf32, #tpu.memory_space<vmem>>
    %dma_wait3A_109 = arith.constant 0 : i32
    %dma_wait3A_110 = tpu.memref_slice %arg6[%dma_wait3A_105, %dma_wait3A_109] : memref<8x128xi32, #tpu.memory_space<vmem>> -> memref<1x128xi32, #tpu.memory_space<vmem>>
    %dma_wait3A_111 = tpu.memref_squeeze %dma_wait3A_110 : memref<1x128xi32, #tpu.memory_space<vmem>> -> memref<128xi32, #tpu.memory_space<vmem>>
    %dma_wait3A_112 = arith.constant 0 : i32
    %dma_wait3A_113 = arith.constant 0 : i32
    %dma_wait3A_114 = tpu.memref_slice %arg2[%dma_wait3A_112, %dma_wait3A_113] : memref<100000x128xf32, #tpu.memory_space<hbm>> -> memref<100000x128xf32, #tpu.memory_space<hbm>>
    tpu.wait_indirect_dma semaphore(%arg9 : memref<!tpu.dma_semaphore, #tpu.memory_space<semaphore_mem>>) src(%dma_wait3A_114 : memref<100000x128xf32, #tpu.memory_space<hbm>>) dst(%dma_wait3A_108 : memref<128x128xf32, #tpu.memory_space<vmem>>)
    %add3A_115 = arith.constant 128 : i32
    %add3A_116 = arith.addi %mul3A_2, %add3A_115 : i32
    %dma_start3A_117 = arith.constant 128 : i32
    %dma_start3A_118 = arith.constant 0 : i32
    %dma_start3A_119 = tpu.memref_slice %arg7[%dma_start3A_117, %dma_start3A_118] : memref<768x128xf32, #tpu.memory_space<vmem>> -> memref<128x128xf32, #tpu.memory_space<vmem>>
    %dma_start3A_120 = arith.constant 0 : i32
    %dma_start3A_121 = tpu.memref_slice %arg5[%add3A_116, %dma_start3A_120] : memref<16384x256xf32, #tpu.memory_space<hbm>> -> memref<128x128xf32, #tpu.memory_space<hbm>>
    %dma_start3A_122 = arith.constant 0 : i32
    %dma_start3A_123 = tpu.memref_slice %arg5[%add3A_116, %dma_start3A_122] : memref<16384x256xf32, #tpu.memory_space<hbm>> -> memref<128x128xf32, #tpu.memory_space<hbm>>
    %dma_start3A_124 = arith.constant 128 : i32
    %dma_start3A_125 = arith.constant 0 : i32
    %dma_start3A_126 = tpu.memref_slice %arg7[%dma_start3A_124, %dma_start3A_125] : memref<768x128xf32, #tpu.memory_space<vmem>> -> memref<128x128xf32, #tpu.memory_space<vmem>>
    tpu.enqueue_dma source(%dma_start3A_126 : memref<128x128xf32, #tpu.memory_space<vmem>>) target(%dma_start3A_123 : memref<128x128xf32, #tpu.memory_space<hbm>>) target_semaphore(%arg15 : memref<!tpu.dma_semaphore, #tpu.memory_space<semaphore_mem>>)
    %dma_wait3A_127 = arith.constant 128 : i32
    %dma_wait3A_128 = arith.constant 0 : i32
    %dma_wait3A_129 = tpu.memref_slice %arg7[%dma_wait3A_127, %dma_wait3A_128] : memref<768x128xf32, #tpu.memory_space<vmem>> -> memref<128x128xf32, #tpu.memory_space<vmem>>
    %dma_wait3A_130 = arith.constant 0 : i32
    %dma_wait3A_131 = tpu.memref_slice %arg5[%add3A_116, %dma_wait3A_130] : memref<16384x256xf32, #tpu.memory_space<hbm>> -> memref<128x128xf32, #tpu.memory_space<hbm>>
    %dma_wait3A_132 = arith.constant 0 : i32
    %dma_wait3A_133 = tpu.memref_slice %arg5[%add3A_116, %dma_wait3A_132] : memref<16384x256xf32, #tpu.memory_space<hbm>> -> memref<128x128xf32, #tpu.memory_space<hbm>>
    %dma_wait3A_134 = arith.constant 128 : i32
    %dma_wait3A_135 = arith.constant 0 : i32
    %dma_wait3A_136 = tpu.memref_slice %arg7[%dma_wait3A_134, %dma_wait3A_135] : memref<768x128xf32, #tpu.memory_space<vmem>> -> memref<128x128xf32, #tpu.memory_space<vmem>>
    tpu.wait_dma2 semaphore(%arg15 : memref<!tpu.dma_semaphore, #tpu.memory_space<semaphore_mem>>) src(%dma_wait3A_136 : memref<128x128xf32, #tpu.memory_space<vmem>>) dst(%dma_wait3A_133 : memref<128x128xf32, #tpu.memory_space<hbm>>)
    %dma_start3A_137 = arith.constant 7 : i32
    %dma_start3A_138 = arith.constant 128 : i32
    %dma_start3A_139 = arith.constant 0 : i32
    %dma_start3A_140 = tpu.memref_slice %arg7[%dma_start3A_138, %dma_start3A_139] : memref<768x128xf32, #tpu.memory_space<vmem>> -> memref<128x128xf32, #tpu.memory_space<vmem>>
    %dma_start3A_141 = arith.constant 0 : i32
    %dma_start3A_142 = tpu.memref_slice %arg6[%dma_start3A_137, %dma_start3A_141] : memref<8x128xi32, #tpu.memory_space<vmem>> -> memref<1x128xi32, #tpu.memory_space<vmem>>
    %dma_start3A_143 = tpu.memref_squeeze %dma_start3A_142 : memref<1x128xi32, #tpu.memory_space<vmem>> -> memref<128xi32, #tpu.memory_space<vmem>>
    %dma_start3A_144 = arith.constant 0 : i32
    %dma_start3A_145 = arith.constant 0 : i32
    %dma_start3A_146 = tpu.memref_slice %arg2[%dma_start3A_144, %dma_start3A_145] : memref<100000x128xf32, #tpu.memory_space<hbm>> -> memref<100000x128xf32, #tpu.memory_space<hbm>>
    tpu.enqueue_indirect_dma source(%dma_start3A_146 : memref<100000x128xf32, #tpu.memory_space<hbm>>) target(%dma_start3A_140 : memref<128x128xf32, #tpu.memory_space<vmem>>) offsets(%dma_start3A_143 : memref<128xi32, #tpu.memory_space<vmem>>) semaphore(%arg9 : memref<!tpu.dma_semaphore, #tpu.memory_space<semaphore_mem>>)
    %dma_wait3A_147 = arith.constant 2 : i32
    %dma_wait3A_148 = arith.constant 256 : i32
    %dma_wait3A_149 = arith.constant 0 : i32
    %dma_wait3A_150 = tpu.memref_slice %arg7[%dma_wait3A_148, %dma_wait3A_149] : memref<768x128xf32, #tpu.memory_space<vmem>> -> memref<128x128xf32, #tpu.memory_space<vmem>>
    %dma_wait3A_151 = arith.constant 0 : i32
    %dma_wait3A_152 = tpu.memref_slice %arg6[%dma_wait3A_147, %dma_wait3A_151] : memref<8x128xi32, #tpu.memory_space<vmem>> -> memref<1x128xi32, #tpu.memory_space<vmem>>
    %dma_wait3A_153 = tpu.memref_squeeze %dma_wait3A_152 : memref<1x128xi32, #tpu.memory_space<vmem>> -> memref<128xi32, #tpu.memory_space<vmem>>
    %dma_wait3A_154 = arith.constant 0 : i32
    %dma_wait3A_155 = arith.constant 0 : i32
    %dma_wait3A_156 = tpu.memref_slice %arg2[%dma_wait3A_154, %dma_wait3A_155] : memref<100000x128xf32, #tpu.memory_space<hbm>> -> memref<100000x128xf32, #tpu.memory_space<hbm>>
    tpu.wait_indirect_dma semaphore(%arg10 : memref<!tpu.dma_semaphore, #tpu.memory_space<semaphore_mem>>) src(%dma_wait3A_156 : memref<100000x128xf32, #tpu.memory_space<hbm>>) dst(%dma_wait3A_150 : memref<128x128xf32, #tpu.memory_space<vmem>>)
    %add3A_157 = arith.constant 256 : i32
    %add3A_158 = arith.addi %mul3A_2, %add3A_157 : i32
    %dma_start3A_159 = arith.constant 256 : i32
    %dma_start3A_160 = arith.constant 0 : i32
    %dma_start3A_161 = tpu.memref_slice %arg7[%dma_start3A_159, %dma_start3A_160] : memref<768x128xf32, #tpu.memory_space<vmem>> -> memref<128x128xf32, #tpu.memory_space<vmem>>
    %dma_start3A_162 = arith.constant 0 : i32
    %dma_start3A_163 = tpu.memref_slice %arg5[%add3A_158, %dma_start3A_162] : memref<16384x256xf32, #tpu.memory_space<hbm>> -> memref<128x128xf32, #tpu.memory_space<hbm>>
    %dma_start3A_164 = arith.constant 0 : i32
    %dma_start3A_165 = tpu.memref_slice %arg5[%add3A_158, %dma_start3A_164] : memref<16384x256xf32, #tpu.memory_space<hbm>> -> memref<128x128xf32, #tpu.memory_space<hbm>>
    %dma_start3A_166 = arith.constant 256 : i32
    %dma_start3A_167 = arith.constant 0 : i32
    %dma_start3A_168 = tpu.memref_slice %arg7[%dma_start3A_166, %dma_start3A_167] : memref<768x128xf32, #tpu.memory_space<vmem>> -> memref<128x128xf32, #tpu.memory_space<vmem>>
    tpu.enqueue_dma source(%dma_start3A_168 : memref<128x128xf32, #tpu.memory_space<vmem>>) target(%dma_start3A_165 : memref<128x128xf32, #tpu.memory_space<hbm>>) target_semaphore(%arg16 : memref<!tpu.dma_semaphore, #tpu.memory_space<semaphore_mem>>)
    %dma_wait3A_169 = arith.constant 3 : i32
    %dma_wait3A_170 = arith.constant 384 : i32
    %dma_wait3A_171 = arith.constant 0 : i32
    %dma_wait3A_172 = tpu.memref_slice %arg7[%dma_wait3A_170, %dma_wait3A_171] : memref<768x128xf32, #tpu.memory_space<vmem>> -> memref<128x128xf32, #tpu.memory_space<vmem>>
    %dma_wait3A_173 = arith.constant 0 : i32
    %dma_wait3A_174 = tpu.memref_slice %arg6[%dma_wait3A_169, %dma_wait3A_173] : memref<8x128xi32, #tpu.memory_space<vmem>> -> memref<1x128xi32, #tpu.memory_space<vmem>>
    %dma_wait3A_175 = tpu.memref_squeeze %dma_wait3A_174 : memref<1x128xi32, #tpu.memory_space<vmem>> -> memref<128xi32, #tpu.memory_space<vmem>>
    %dma_wait3A_176 = arith.constant 0 : i32
    %dma_wait3A_177 = arith.constant 0 : i32
    %dma_wait3A_178 = tpu.memref_slice %arg2[%dma_wait3A_176, %dma_wait3A_177] : memref<100000x128xf32, #tpu.memory_space<hbm>> -> memref<100000x128xf32, #tpu.memory_space<hbm>>
    tpu.wait_indirect_dma semaphore(%arg11 : memref<!tpu.dma_semaphore, #tpu.memory_space<semaphore_mem>>) src(%dma_wait3A_178 : memref<100000x128xf32, #tpu.memory_space<hbm>>) dst(%dma_wait3A_172 : memref<128x128xf32, #tpu.memory_space<vmem>>)
    %add3A_179 = arith.constant 384 : i32
    %add3A_180 = arith.addi %mul3A_2, %add3A_179 : i32
    %dma_start3A_181 = arith.constant 384 : i32
    %dma_start3A_182 = arith.constant 0 : i32
    %dma_start3A_183 = tpu.memref_slice %arg7[%dma_start3A_181, %dma_start3A_182] : memref<768x128xf32, #tpu.memory_space<vmem>> -> memref<128x128xf32, #tpu.memory_space<vmem>>
    %dma_start3A_184 = arith.constant 0 : i32
    %dma_start3A_185 = tpu.memref_slice %arg5[%add3A_180, %dma_start3A_184] : memref<16384x256xf32, #tpu.memory_space<hbm>> -> memref<128x128xf32, #tpu.memory_space<hbm>>
    %dma_start3A_186 = arith.constant 0 : i32
    %dma_start3A_187 = tpu.memref_slice %arg5[%add3A_180, %dma_start3A_186] : memref<16384x256xf32, #tpu.memory_space<hbm>> -> memref<128x128xf32, #tpu.memory_space<hbm>>
    %dma_start3A_188 = arith.constant 384 : i32
    %dma_start3A_189 = arith.constant 0 : i32
    %dma_start3A_190 = tpu.memref_slice %arg7[%dma_start3A_188, %dma_start3A_189] : memref<768x128xf32, #tpu.memory_space<vmem>> -> memref<128x128xf32, #tpu.memory_space<vmem>>
    tpu.enqueue_dma source(%dma_start3A_190 : memref<128x128xf32, #tpu.memory_space<vmem>>) target(%dma_start3A_187 : memref<128x128xf32, #tpu.memory_space<hbm>>) target_semaphore(%arg17 : memref<!tpu.dma_semaphore, #tpu.memory_space<semaphore_mem>>)
    %dma_wait3A_191 = arith.constant 4 : i32
    %dma_wait3A_192 = arith.constant 512 : i32
    %dma_wait3A_193 = arith.constant 0 : i32
    %dma_wait3A_194 = tpu.memref_slice %arg7[%dma_wait3A_192, %dma_wait3A_193] : memref<768x128xf32, #tpu.memory_space<vmem>> -> memref<128x128xf32, #tpu.memory_space<vmem>>
    %dma_wait3A_195 = arith.constant 0 : i32
    %dma_wait3A_196 = tpu.memref_slice %arg6[%dma_wait3A_191, %dma_wait3A_195] : memref<8x128xi32, #tpu.memory_space<vmem>> -> memref<1x128xi32, #tpu.memory_space<vmem>>
    %dma_wait3A_197 = tpu.memref_squeeze %dma_wait3A_196 : memref<1x128xi32, #tpu.memory_space<vmem>> -> memref<128xi32, #tpu.memory_space<vmem>>
    %dma_wait3A_198 = arith.constant 0 : i32
    %dma_wait3A_199 = arith.constant 0 : i32
    %dma_wait3A_200 = tpu.memref_slice %arg2[%dma_wait3A_198, %dma_wait3A_199] : memref<100000x128xf32, #tpu.memory_space<hbm>> -> memref<100000x128xf32, #tpu.memory_space<hbm>>
    tpu.wait_indirect_dma semaphore(%arg12 : memref<!tpu.dma_semaphore, #tpu.memory_space<semaphore_mem>>) src(%dma_wait3A_200 : memref<100000x128xf32, #tpu.memory_space<hbm>>) dst(%dma_wait3A_194 : memref<128x128xf32, #tpu.memory_space<vmem>>)
    %add3A_201 = arith.constant 0 : i32
    %add3A_202 = arith.addi %mul3A_2, %add3A_201 : i32
    %dma_start3A_203 = arith.constant 512 : i32
    %dma_start3A_204 = arith.constant 0 : i32
    %dma_start3A_205 = tpu.memref_slice %arg7[%dma_start3A_203, %dma_start3A_204] : memref<768x128xf32, #tpu.memory_space<vmem>> -> memref<128x128xf32, #tpu.memory_space<vmem>>
    %dma_start3A_206 = arith.constant 128 : i32
    %dma_start3A_207 = tpu.memref_slice %arg5[%add3A_202, %dma_start3A_206] : memref<16384x256xf32, #tpu.memory_space<hbm>> -> memref<128x128xf32, #tpu.memory_space<hbm>>
    %dma_start3A_208 = arith.constant 128 : i32
    %dma_start3A_209 = tpu.memref_slice %arg5[%add3A_202, %dma_start3A_208] : memref<16384x256xf32, #tpu.memory_space<hbm>> -> memref<128x128xf32, #tpu.memory_space<hbm>>
    %dma_start3A_210 = arith.constant 512 : i32
    %dma_start3A_211 = arith.constant 0 : i32
    %dma_start3A_212 = tpu.memref_slice %arg7[%dma_start3A_210, %dma_start3A_211] : memref<768x128xf32, #tpu.memory_space<vmem>> -> memref<128x128xf32, #tpu.memory_space<vmem>>
    tpu.enqueue_dma source(%dma_start3A_212 : memref<128x128xf32, #tpu.memory_space<vmem>>) target(%dma_start3A_209 : memref<128x128xf32, #tpu.memory_space<hbm>>) target_semaphore(%arg18 : memref<!tpu.dma_semaphore, #tpu.memory_space<semaphore_mem>>)
    %dma_wait3A_213 = arith.constant 5 : i32
    %dma_wait3A_214 = arith.constant 640 : i32
    %dma_wait3A_215 = arith.constant 0 : i32
    %dma_wait3A_216 = tpu.memref_slice %arg7[%dma_wait3A_214, %dma_wait3A_215] : memref<768x128xf32, #tpu.memory_space<vmem>> -> memref<128x128xf32, #tpu.memory_space<vmem>>
    %dma_wait3A_217 = arith.constant 0 : i32
    %dma_wait3A_218 = tpu.memref_slice %arg6[%dma_wait3A_213, %dma_wait3A_217] : memref<8x128xi32, #tpu.memory_space<vmem>> -> memref<1x128xi32, #tpu.memory_space<vmem>>
    %dma_wait3A_219 = tpu.memref_squeeze %dma_wait3A_218 : memref<1x128xi32, #tpu.memory_space<vmem>> -> memref<128xi32, #tpu.memory_space<vmem>>
    %dma_wait3A_220 = arith.constant 0 : i32
    %dma_wait3A_221 = arith.constant 0 : i32
    %dma_wait3A_222 = tpu.memref_slice %arg2[%dma_wait3A_220, %dma_wait3A_221] : memref<100000x128xf32, #tpu.memory_space<hbm>> -> memref<100000x128xf32, #tpu.memory_space<hbm>>
    tpu.wait_indirect_dma semaphore(%arg13 : memref<!tpu.dma_semaphore, #tpu.memory_space<semaphore_mem>>) src(%dma_wait3A_222 : memref<100000x128xf32, #tpu.memory_space<hbm>>) dst(%dma_wait3A_216 : memref<128x128xf32, #tpu.memory_space<vmem>>)
    %add3A_223 = arith.constant 128 : i32
    %add3A_224 = arith.addi %mul3A_2, %add3A_223 : i32
    %dma_start3A_225 = arith.constant 640 : i32
    %dma_start3A_226 = arith.constant 0 : i32
    %dma_start3A_227 = tpu.memref_slice %arg7[%dma_start3A_225, %dma_start3A_226] : memref<768x128xf32, #tpu.memory_space<vmem>> -> memref<128x128xf32, #tpu.memory_space<vmem>>
    %dma_start3A_228 = arith.constant 128 : i32
    %dma_start3A_229 = tpu.memref_slice %arg5[%add3A_224, %dma_start3A_228] : memref<16384x256xf32, #tpu.memory_space<hbm>> -> memref<128x128xf32, #tpu.memory_space<hbm>>
    %dma_start3A_230 = arith.constant 128 : i32
    %dma_start3A_231 = tpu.memref_slice %arg5[%add3A_224, %dma_start3A_230] : memref<16384x256xf32, #tpu.memory_space<hbm>> -> memref<128x128xf32, #tpu.memory_space<hbm>>
    %dma_start3A_232 = arith.constant 640 : i32
    %dma_start3A_233 = arith.constant 0 : i32
    %dma_start3A_234 = tpu.memref_slice %arg7[%dma_start3A_232, %dma_start3A_233] : memref<768x128xf32, #tpu.memory_space<vmem>> -> memref<128x128xf32, #tpu.memory_space<vmem>>
    tpu.enqueue_dma source(%dma_start3A_234 : memref<128x128xf32, #tpu.memory_space<vmem>>) target(%dma_start3A_231 : memref<128x128xf32, #tpu.memory_space<hbm>>) target_semaphore(%arg19 : memref<!tpu.dma_semaphore, #tpu.memory_space<semaphore_mem>>)
    %dma_wait3A_235 = arith.constant 6 : i32
    %dma_wait3A_236 = arith.constant 0 : i32
    %dma_wait3A_237 = arith.constant 0 : i32
    %dma_wait3A_238 = tpu.memref_slice %arg7[%dma_wait3A_236, %dma_wait3A_237] : memref<768x128xf32, #tpu.memory_space<vmem>> -> memref<128x128xf32, #tpu.memory_space<vmem>>
    %dma_wait3A_239 = arith.constant 0 : i32
    %dma_wait3A_240 = tpu.memref_slice %arg6[%dma_wait3A_235, %dma_wait3A_239] : memref<8x128xi32, #tpu.memory_space<vmem>> -> memref<1x128xi32, #tpu.memory_space<vmem>>
    %dma_wait3A_241 = tpu.memref_squeeze %dma_wait3A_240 : memref<1x128xi32, #tpu.memory_space<vmem>> -> memref<128xi32, #tpu.memory_space<vmem>>
    %dma_wait3A_242 = arith.constant 0 : i32
    %dma_wait3A_243 = arith.constant 0 : i32
    %dma_wait3A_244 = tpu.memref_slice %arg2[%dma_wait3A_242, %dma_wait3A_243] : memref<100000x128xf32, #tpu.memory_space<hbm>> -> memref<100000x128xf32, #tpu.memory_space<hbm>>
    tpu.wait_indirect_dma semaphore(%arg8 : memref<!tpu.dma_semaphore, #tpu.memory_space<semaphore_mem>>) src(%dma_wait3A_244 : memref<100000x128xf32, #tpu.memory_space<hbm>>) dst(%dma_wait3A_238 : memref<128x128xf32, #tpu.memory_space<vmem>>)
    %add3A_245 = arith.constant 256 : i32
    %add3A_246 = arith.addi %mul3A_2, %add3A_245 : i32
    %dma_start3A_247 = arith.constant 0 : i32
    %dma_start3A_248 = arith.constant 0 : i32
    %dma_start3A_249 = tpu.memref_slice %arg7[%dma_start3A_247, %dma_start3A_248] : memref<768x128xf32, #tpu.memory_space<vmem>> -> memref<128x128xf32, #tpu.memory_space<vmem>>
    %dma_start3A_250 = arith.constant 128 : i32
    %dma_start3A_251 = tpu.memref_slice %arg5[%add3A_246, %dma_start3A_250] : memref<16384x256xf32, #tpu.memory_space<hbm>> -> memref<128x128xf32, #tpu.memory_space<hbm>>
    %dma_start3A_252 = arith.constant 128 : i32
    %dma_start3A_253 = tpu.memref_slice %arg5[%add3A_246, %dma_start3A_252] : memref<16384x256xf32, #tpu.memory_space<hbm>> -> memref<128x128xf32, #tpu.memory_space<hbm>>
    %dma_start3A_254 = arith.constant 0 : i32
    %dma_start3A_255 = arith.constant 0 : i32
    %dma_start3A_256 = tpu.memref_slice %arg7[%dma_start3A_254, %dma_start3A_255] : memref<768x128xf32, #tpu.memory_space<vmem>> -> memref<128x128xf32, #tpu.memory_space<vmem>>
    tpu.enqueue_dma source(%dma_start3A_256 : memref<128x128xf32, #tpu.memory_space<vmem>>) target(%dma_start3A_253 : memref<128x128xf32, #tpu.memory_space<hbm>>) target_semaphore(%arg14 : memref<!tpu.dma_semaphore, #tpu.memory_space<semaphore_mem>>)
    %dma_wait3A_257 = arith.constant 7 : i32
    %dma_wait3A_258 = arith.constant 128 : i32
    %dma_wait3A_259 = arith.constant 0 : i32
    %dma_wait3A_260 = tpu.memref_slice %arg7[%dma_wait3A_258, %dma_wait3A_259] : memref<768x128xf32, #tpu.memory_space<vmem>> -> memref<128x128xf32, #tpu.memory_space<vmem>>
    %dma_wait3A_261 = arith.constant 0 : i32
    %dma_wait3A_262 = tpu.memref_slice %arg6[%dma_wait3A_257, %dma_wait3A_261] : memref<8x128xi32, #tpu.memory_space<vmem>> -> memref<1x128xi32, #tpu.memory_space<vmem>>
    %dma_wait3A_263 = tpu.memref_squeeze %dma_wait3A_262 : memref<1x128xi32, #tpu.memory_space<vmem>> -> memref<128xi32, #tpu.memory_space<vmem>>
    %dma_wait3A_264 = arith.constant 0 : i32
    %dma_wait3A_265 = arith.constant 0 : i32
    %dma_wait3A_266 = tpu.memref_slice %arg2[%dma_wait3A_264, %dma_wait3A_265] : memref<100000x128xf32, #tpu.memory_space<hbm>> -> memref<100000x128xf32, #tpu.memory_space<hbm>>
    tpu.wait_indirect_dma semaphore(%arg9 : memref<!tpu.dma_semaphore, #tpu.memory_space<semaphore_mem>>) src(%dma_wait3A_266 : memref<100000x128xf32, #tpu.memory_space<hbm>>) dst(%dma_wait3A_260 : memref<128x128xf32, #tpu.memory_space<vmem>>)
    %add3A_267 = arith.constant 384 : i32
    %add3A_268 = arith.addi %mul3A_2, %add3A_267 : i32
    %dma_start3A_269 = arith.constant 128 : i32
    %dma_start3A_270 = arith.constant 0 : i32
    %dma_start3A_271 = tpu.memref_slice %arg7[%dma_start3A_269, %dma_start3A_270] : memref<768x128xf32, #tpu.memory_space<vmem>> -> memref<128x128xf32, #tpu.memory_space<vmem>>
    %dma_start3A_272 = arith.constant 128 : i32
    %dma_start3A_273 = tpu.memref_slice %arg5[%add3A_268, %dma_start3A_272] : memref<16384x256xf32, #tpu.memory_space<hbm>> -> memref<128x128xf32, #tpu.memory_space<hbm>>
    %dma_start3A_274 = arith.constant 128 : i32
    %dma_start3A_275 = tpu.memref_slice %arg5[%add3A_268, %dma_start3A_274] : memref<16384x256xf32, #tpu.memory_space<hbm>> -> memref<128x128xf32, #tpu.memory_space<hbm>>
    %dma_start3A_276 = arith.constant 128 : i32
    %dma_start3A_277 = arith.constant 0 : i32
    %dma_start3A_278 = tpu.memref_slice %arg7[%dma_start3A_276, %dma_start3A_277] : memref<768x128xf32, #tpu.memory_space<vmem>> -> memref<128x128xf32, #tpu.memory_space<vmem>>
    tpu.enqueue_dma source(%dma_start3A_278 : memref<128x128xf32, #tpu.memory_space<vmem>>) target(%dma_start3A_275 : memref<128x128xf32, #tpu.memory_space<hbm>>) target_semaphore(%arg15 : memref<!tpu.dma_semaphore, #tpu.memory_space<semaphore_mem>>)
    %dma_wait3A_279 = arith.constant 256 : i32
    %dma_wait3A_280 = arith.constant 0 : i32
    %dma_wait3A_281 = tpu.memref_slice %arg7[%dma_wait3A_279, %dma_wait3A_280] : memref<768x128xf32, #tpu.memory_space<vmem>> -> memref<128x128xf32, #tpu.memory_space<vmem>>
    %dma_wait3A_282 = arith.constant 0 : i32
    %dma_wait3A_283 = tpu.memref_slice %arg5[%add3A_158, %dma_wait3A_282] : memref<16384x256xf32, #tpu.memory_space<hbm>> -> memref<128x128xf32, #tpu.memory_space<hbm>>
    %dma_wait3A_284 = arith.constant 0 : i32
    %dma_wait3A_285 = tpu.memref_slice %arg5[%add3A_158, %dma_wait3A_284] : memref<16384x256xf32, #tpu.memory_space<hbm>> -> memref<128x128xf32, #tpu.memory_space<hbm>>
    %dma_wait3A_286 = arith.constant 256 : i32
    %dma_wait3A_287 = arith.constant 0 : i32
    %dma_wait3A_288 = tpu.memref_slice %arg7[%dma_wait3A_286, %dma_wait3A_287] : memref<768x128xf32, #tpu.memory_space<vmem>> -> memref<128x128xf32, #tpu.memory_space<vmem>>
    tpu.wait_dma2 semaphore(%arg16 : memref<!tpu.dma_semaphore, #tpu.memory_space<semaphore_mem>>) src(%dma_wait3A_288 : memref<128x128xf32, #tpu.memory_space<vmem>>) dst(%dma_wait3A_285 : memref<128x128xf32, #tpu.memory_space<hbm>>)
    %dma_wait3A_289 = arith.constant 384 : i32
    %dma_wait3A_290 = arith.constant 0 : i32
    %dma_wait3A_291 = tpu.memref_slice %arg7[%dma_wait3A_289, %dma_wait3A_290] : memref<768x128xf32, #tpu.memory_space<vmem>> -> memref<128x128xf32, #tpu.memory_space<vmem>>
    %dma_wait3A_292 = arith.constant 0 : i32
    %dma_wait3A_293 = tpu.memref_slice %arg5[%add3A_180, %dma_wait3A_292] : memref<16384x256xf32, #tpu.memory_space<hbm>> -> memref<128x128xf32, #tpu.memory_space<hbm>>
    %dma_wait3A_294 = arith.constant 0 : i32
    %dma_wait3A_295 = tpu.memref_slice %arg5[%add3A_180, %dma_wait3A_294] : memref<16384x256xf32, #tpu.memory_space<hbm>> -> memref<128x128xf32, #tpu.memory_space<hbm>>
    %dma_wait3A_296 = arith.constant 384 : i32
    %dma_wait3A_297 = arith.constant 0 : i32
    %dma_wait3A_298 = tpu.memref_slice %arg7[%dma_wait3A_296, %dma_wait3A_297] : memref<768x128xf32, #tpu.memory_space<vmem>> -> memref<128x128xf32, #tpu.memory_space<vmem>>
    tpu.wait_dma2 semaphore(%arg17 : memref<!tpu.dma_semaphore, #tpu.memory_space<semaphore_mem>>) src(%dma_wait3A_298 : memref<128x128xf32, #tpu.memory_space<vmem>>) dst(%dma_wait3A_295 : memref<128x128xf32, #tpu.memory_space<hbm>>)
    %dma_wait3A_299 = arith.constant 512 : i32
    %dma_wait3A_300 = arith.constant 0 : i32
    %dma_wait3A_301 = tpu.memref_slice %arg7[%dma_wait3A_299, %dma_wait3A_300] : memref<768x128xf32, #tpu.memory_space<vmem>> -> memref<128x128xf32, #tpu.memory_space<vmem>>
    %dma_wait3A_302 = arith.constant 128 : i32
    %dma_wait3A_303 = tpu.memref_slice %arg5[%add3A_202, %dma_wait3A_302] : memref<16384x256xf32, #tpu.memory_space<hbm>> -> memref<128x128xf32, #tpu.memory_space<hbm>>
    %dma_wait3A_304 = arith.constant 128 : i32
    %dma_wait3A_305 = tpu.memref_slice %arg5[%add3A_202, %dma_wait3A_304] : memref<16384x256xf32, #tpu.memory_space<hbm>> -> memref<128x128xf32, #tpu.memory_space<hbm>>
    %dma_wait3A_306 = arith.constant 512 : i32
    %dma_wait3A_307 = arith.constant 0 : i32
    %dma_wait3A_308 = tpu.memref_slice %arg7[%dma_wait3A_306, %dma_wait3A_307] : memref<768x128xf32, #tpu.memory_space<vmem>> -> memref<128x128xf32, #tpu.memory_space<vmem>>
    tpu.wait_dma2 semaphore(%arg18 : memref<!tpu.dma_semaphore, #tpu.memory_space<semaphore_mem>>) src(%dma_wait3A_308 : memref<128x128xf32, #tpu.memory_space<vmem>>) dst(%dma_wait3A_305 : memref<128x128xf32, #tpu.memory_space<hbm>>)
    %dma_wait3A_309 = arith.constant 640 : i32
    %dma_wait3A_310 = arith.constant 0 : i32
    %dma_wait3A_311 = tpu.memref_slice %arg7[%dma_wait3A_309, %dma_wait3A_310] : memref<768x128xf32, #tpu.memory_space<vmem>> -> memref<128x128xf32, #tpu.memory_space<vmem>>
    %dma_wait3A_312 = arith.constant 128 : i32
    %dma_wait3A_313 = tpu.memref_slice %arg5[%add3A_224, %dma_wait3A_312] : memref<16384x256xf32, #tpu.memory_space<hbm>> -> memref<128x128xf32, #tpu.memory_space<hbm>>
    %dma_wait3A_314 = arith.constant 128 : i32
    %dma_wait3A_315 = tpu.memref_slice %arg5[%add3A_224, %dma_wait3A_314] : memref<16384x256xf32, #tpu.memory_space<hbm>> -> memref<128x128xf32, #tpu.memory_space<hbm>>
    %dma_wait3A_316 = arith.constant 640 : i32
    %dma_wait3A_317 = arith.constant 0 : i32
    %dma_wait3A_318 = tpu.memref_slice %arg7[%dma_wait3A_316, %dma_wait3A_317] : memref<768x128xf32, #tpu.memory_space<vmem>> -> memref<128x128xf32, #tpu.memory_space<vmem>>
    tpu.wait_dma2 semaphore(%arg19 : memref<!tpu.dma_semaphore, #tpu.memory_space<semaphore_mem>>) src(%dma_wait3A_318 : memref<128x128xf32, #tpu.memory_space<vmem>>) dst(%dma_wait3A_315 : memref<128x128xf32, #tpu.memory_space<hbm>>)
    %dma_wait3A_319 = arith.constant 0 : i32
    %dma_wait3A_320 = arith.constant 0 : i32
    %dma_wait3A_321 = tpu.memref_slice %arg7[%dma_wait3A_319, %dma_wait3A_320] : memref<768x128xf32, #tpu.memory_space<vmem>> -> memref<128x128xf32, #tpu.memory_space<vmem>>
    %dma_wait3A_322 = arith.constant 128 : i32
    %dma_wait3A_323 = tpu.memref_slice %arg5[%add3A_246, %dma_wait3A_322] : memref<16384x256xf32, #tpu.memory_space<hbm>> -> memref<128x128xf32, #tpu.memory_space<hbm>>
    %dma_wait3A_324 = arith.constant 128 : i32
    %dma_wait3A_325 = tpu.memref_slice %arg5[%add3A_246, %dma_wait3A_324] : memref<16384x256xf32, #tpu.memory_space<hbm>> -> memref<128x128xf32, #tpu.memory_space<hbm>>
    %dma_wait3A_326 = arith.constant 0 : i32
    %dma_wait3A_327 = arith.constant 0 : i32
    %dma_wait3A_328 = tpu.memref_slice %arg7[%dma_wait3A_326, %dma_wait3A_327] : memref<768x128xf32, #tpu.memory_space<vmem>> -> memref<128x128xf32, #tpu.memory_space<vmem>>
    tpu.wait_dma2 semaphore(%arg14 : memref<!tpu.dma_semaphore, #tpu.memory_space<semaphore_mem>>) src(%dma_wait3A_328 : memref<128x128xf32, #tpu.memory_space<vmem>>) dst(%dma_wait3A_325 : memref<128x128xf32, #tpu.memory_space<hbm>>)
    %dma_wait3A_329 = arith.constant 128 : i32
    %dma_wait3A_330 = arith.constant 0 : i32
    %dma_wait3A_331 = tpu.memref_slice %arg7[%dma_wait3A_329, %dma_wait3A_330] : memref<768x128xf32, #tpu.memory_space<vmem>> -> memref<128x128xf32, #tpu.memory_space<vmem>>
    %dma_wait3A_332 = arith.constant 128 : i32
    %dma_wait3A_333 = tpu.memref_slice %arg5[%add3A_268, %dma_wait3A_332] : memref<16384x256xf32, #tpu.memory_space<hbm>> -> memref<128x128xf32, #tpu.memory_space<hbm>>
    %dma_wait3A_334 = arith.constant 128 : i32
    %dma_wait3A_335 = tpu.memref_slice %arg5[%add3A_268, %dma_wait3A_334] : memref<16384x256xf32, #tpu.memory_space<hbm>> -> memref<128x128xf32, #tpu.memory_space<hbm>>
    %dma_wait3A_336 = arith.constant 128 : i32
    %dma_wait3A_337 = arith.constant 0 : i32
    %dma_wait3A_338 = tpu.memref_slice %arg7[%dma_wait3A_336, %dma_wait3A_337] : memref<768x128xf32, #tpu.memory_space<vmem>> -> memref<128x128xf32, #tpu.memory_space<vmem>>
    tpu.wait_dma2 semaphore(%arg15 : memref<!tpu.dma_semaphore, #tpu.memory_space<semaphore_mem>>) src(%dma_wait3A_338 : memref<128x128xf32, #tpu.memory_space<vmem>>) dst(%dma_wait3A_335 : memref<128x128xf32, #tpu.memory_space<hbm>>)
    return
  }
}

module attributes {stable_mosaic.version = 14 : i64} {
  func.func @_tc_bn_body(%arg0: memref<128x128x256xf32, #tpu.memory_space<hbm>>, %arg1: memref<128x128xf32, #tpu.memory_space<vmem>>, %arg2: memref<257xf32, #tpu.memory_space<vmem>>, %arg3: memref<257xf32, #tpu.memory_space<vmem>>, %arg4: memref<1x257xf32, #tpu.memory_space<vmem>>, %arg5: memref<1xf32, #tpu.memory_space<vmem>>, %arg6: memref<128x128xf32, #tpu.memory_space<vmem>>, %arg7: memref<128x128x256xf32, #tpu.memory_space<vmem>>, %arg8: memref<128x128xf32, #tpu.memory_space<vmem>>, %arg9: memref<4x!tpu.dma_semaphore, #tpu.memory_space<semaphore_mem>>) attributes {dimension_semantics = [], scalar_prefetch = 0 : i64, scratch_operands = 3 : i64, tpu.core_type = #tpu.core_type<tc>} {
    %dma_start3A = arith.constant 0 : i32
    %dma_start3A_0 = tpu.memref_slice %arg9[%dma_start3A] : memref<4x!tpu.dma_semaphore, #tpu.memory_space<semaphore_mem>> -> memref<1x!tpu.dma_semaphore, #tpu.memory_space<semaphore_mem>>
    %dma_start3A_1 = tpu.memref_squeeze %dma_start3A_0 : memref<1x!tpu.dma_semaphore, #tpu.memory_space<semaphore_mem>> -> memref<!tpu.dma_semaphore, #tpu.memory_space<semaphore_mem>>
    %dma_start3A_2 = arith.constant 0 : i32
    %dma_start3A_3 = arith.constant 0 : i32
    %dma_start3A_4 = arith.constant 0 : i32
    %dma_start3A_5 = tpu.memref_slice %arg7[%dma_start3A_2, %dma_start3A_3, %dma_start3A_4] : memref<128x128x256xf32, #tpu.memory_space<vmem>> -> memref<32x128x256xf32, #tpu.memory_space<vmem>>
    %dma_start3A_6 = arith.constant 0 : i32
    %dma_start3A_7 = arith.constant 0 : i32
    %dma_start3A_8 = arith.constant 0 : i32
    %dma_start3A_9 = tpu.memref_slice %arg0[%dma_start3A_6, %dma_start3A_7, %dma_start3A_8] : memref<128x128x256xf32, #tpu.memory_space<hbm>> -> memref<32x128x256xf32, #tpu.memory_space<hbm>>
    tpu.enqueue_dma source(%dma_start3A_9 : memref<32x128x256xf32, #tpu.memory_space<hbm>>) target(%dma_start3A_5 : memref<32x128x256xf32, #tpu.memory_space<vmem>>) target_semaphore(%dma_start3A_1 : memref<!tpu.dma_semaphore, #tpu.memory_space<semaphore_mem>>)
    %dma_start3A_10 = arith.constant 1 : i32
    %dma_start3A_11 = tpu.memref_slice %arg9[%dma_start3A_10] : memref<4x!tpu.dma_semaphore, #tpu.memory_space<semaphore_mem>> -> memref<1x!tpu.dma_semaphore, #tpu.memory_space<semaphore_mem>>
    %dma_start3A_12 = tpu.memref_squeeze %dma_start3A_11 : memref<1x!tpu.dma_semaphore, #tpu.memory_space<semaphore_mem>> -> memref<!tpu.dma_semaphore, #tpu.memory_space<semaphore_mem>>
    %dma_start3A_13 = arith.constant 32 : i32
    %dma_start3A_14 = arith.constant 0 : i32
    %dma_start3A_15 = arith.constant 0 : i32
    %dma_start3A_16 = tpu.memref_slice %arg7[%dma_start3A_13, %dma_start3A_14, %dma_start3A_15] : memref<128x128x256xf32, #tpu.memory_space<vmem>> -> memref<32x128x256xf32, #tpu.memory_space<vmem>>
    %dma_start3A_17 = arith.constant 32 : i32
    %dma_start3A_18 = arith.constant 0 : i32
    %dma_start3A_19 = arith.constant 0 : i32
    %dma_start3A_20 = tpu.memref_slice %arg0[%dma_start3A_17, %dma_start3A_18, %dma_start3A_19] : memref<128x128x256xf32, #tpu.memory_space<hbm>> -> memref<32x128x256xf32, #tpu.memory_space<hbm>>
    tpu.enqueue_dma source(%dma_start3A_20 : memref<32x128x256xf32, #tpu.memory_space<hbm>>) target(%dma_start3A_16 : memref<32x128x256xf32, #tpu.memory_space<vmem>>) target_semaphore(%dma_start3A_12 : memref<!tpu.dma_semaphore, #tpu.memory_space<semaphore_mem>>)
    %dma_start3A_21 = arith.constant 2 : i32
    %dma_start3A_22 = tpu.memref_slice %arg9[%dma_start3A_21] : memref<4x!tpu.dma_semaphore, #tpu.memory_space<semaphore_mem>> -> memref<1x!tpu.dma_semaphore, #tpu.memory_space<semaphore_mem>>
    %dma_start3A_23 = tpu.memref_squeeze %dma_start3A_22 : memref<1x!tpu.dma_semaphore, #tpu.memory_space<semaphore_mem>> -> memref<!tpu.dma_semaphore, #tpu.memory_space<semaphore_mem>>
    %dma_start3A_24 = arith.constant 64 : i32
    %dma_start3A_25 = arith.constant 0 : i32
    %dma_start3A_26 = arith.constant 0 : i32
    %dma_start3A_27 = tpu.memref_slice %arg7[%dma_start3A_24, %dma_start3A_25, %dma_start3A_26] : memref<128x128x256xf32, #tpu.memory_space<vmem>> -> memref<32x128x256xf32, #tpu.memory_space<vmem>>
    %dma_start3A_28 = arith.constant 64 : i32
    %dma_start3A_29 = arith.constant 0 : i32
    %dma_start3A_30 = arith.constant 0 : i32
    %dma_start3A_31 = tpu.memref_slice %arg0[%dma_start3A_28, %dma_start3A_29, %dma_start3A_30] : memref<128x128x256xf32, #tpu.memory_space<hbm>> -> memref<32x128x256xf32, #tpu.memory_space<hbm>>
    tpu.enqueue_dma source(%dma_start3A_31 : memref<32x128x256xf32, #tpu.memory_space<hbm>>) target(%dma_start3A_27 : memref<32x128x256xf32, #tpu.memory_space<vmem>>) target_semaphore(%dma_start3A_23 : memref<!tpu.dma_semaphore, #tpu.memory_space<semaphore_mem>>)
    %dma_start3A_32 = arith.constant 3 : i32
    %dma_start3A_33 = tpu.memref_slice %arg9[%dma_start3A_32] : memref<4x!tpu.dma_semaphore, #tpu.memory_space<semaphore_mem>> -> memref<1x!tpu.dma_semaphore, #tpu.memory_space<semaphore_mem>>
    %dma_start3A_34 = tpu.memref_squeeze %dma_start3A_33 : memref<1x!tpu.dma_semaphore, #tpu.memory_space<semaphore_mem>> -> memref<!tpu.dma_semaphore, #tpu.memory_space<semaphore_mem>>
    %dma_start3A_35 = arith.constant 96 : i32
    %dma_start3A_36 = arith.constant 0 : i32
    %dma_start3A_37 = arith.constant 0 : i32
    %dma_start3A_38 = tpu.memref_slice %arg7[%dma_start3A_35, %dma_start3A_36, %dma_start3A_37] : memref<128x128x256xf32, #tpu.memory_space<vmem>> -> memref<32x128x256xf32, #tpu.memory_space<vmem>>
    %dma_start3A_39 = arith.constant 96 : i32
    %dma_start3A_40 = arith.constant 0 : i32
    %dma_start3A_41 = arith.constant 0 : i32
    %dma_start3A_42 = tpu.memref_slice %arg0[%dma_start3A_39, %dma_start3A_40, %dma_start3A_41] : memref<128x128x256xf32, #tpu.memory_space<hbm>> -> memref<32x128x256xf32, #tpu.memory_space<hbm>>
    tpu.enqueue_dma source(%dma_start3A_42 : memref<32x128x256xf32, #tpu.memory_space<hbm>>) target(%dma_start3A_38 : memref<32x128x256xf32, #tpu.memory_space<vmem>>) target_semaphore(%dma_start3A_34 : memref<!tpu.dma_semaphore, #tpu.memory_space<semaphore_mem>>)
    %get3A = arith.constant 0 : index
    %get3A_43 = arith.constant 0 : index
    %get3A_44 = vector.load %arg4[%get3A, %get3A_43] : memref<1x257xf32, #tpu.memory_space<vmem>>, vector<1x257xf32>
    %get3A_45 = vector.shape_cast %get3A_44 : vector<1x257xf32> to vector<257xf32>
    %get3A_46 = arith.constant 0 : index
    %get3A_47 = vector.load %arg2[%get3A_46] : memref<257xf32, #tpu.memory_space<vmem>>, vector<257xf32>
    %mul3A = arith.mulf %get3A_47, %get3A_45 : vector<257xf32>
    %get3A_48 = arith.constant 0 : index
    %get3A_49 = vector.load %arg5[%get3A_48] : memref<1xf32, #tpu.memory_space<vmem>>, vector<1xf32>
    %get3A_50 = vector.extract %get3A_49[0] : f32 from vector<1xf32>
    %get3A_51 = arith.constant 0 : index
    %get3A_52 = vector.load %arg3[%get3A_51] : memref<257xf32, #tpu.memory_space<vmem>>, vector<257xf32>
    %mul3A_53 = arith.mulf %get3A_52, %get3A_45 : vector<257xf32>
    %reduce_sum3A = vector.shape_cast %mul3A_53 : vector<257xf32> to vector<1x257xf32>
    %reduce_sum3A_54 = arith.constant dense<0.000000e+00> : vector<1xf32>
    %reduce_sum3A_55 = vector.multi_reduction <add>, %reduce_sum3A, %reduce_sum3A_54 [1] : vector<1x257xf32> to vector<1xf32>
    %reduce_sum3A_56 = vector.shape_cast %reduce_sum3A_55 : vector<1xf32> to vector<1x1xf32>
    %reduce_sum3A_57 = vector.extract %reduce_sum3A_56[0, 0] : f32 from vector<1x1xf32>
    %add3A = arith.addf %get3A_50, %reduce_sum3A_57 : f32
    %broadcast_in_dim3A = arith.constant 0.000000e+00 : f32
    %broadcast_in_dim3A_58 = vector.broadcast %broadcast_in_dim3A : f32 to vector<256xf32>
    %broadcast_in_dim3A_59 = arith.constant 0.000000e+00 : f32
    %broadcast_in_dim3A_60 = vector.broadcast %broadcast_in_dim3A_59 : f32 to vector<256xf32>
    %dma_wait3A = arith.constant 0 : i32
    %dma_wait3A_61 = tpu.memref_slice %arg9[%dma_wait3A] : memref<4x!tpu.dma_semaphore, #tpu.memory_space<semaphore_mem>> -> memref<1x!tpu.dma_semaphore, #tpu.memory_space<semaphore_mem>>
    %dma_wait3A_62 = tpu.memref_squeeze %dma_wait3A_61 : memref<1x!tpu.dma_semaphore, #tpu.memory_space<semaphore_mem>> -> memref<!tpu.dma_semaphore, #tpu.memory_space<semaphore_mem>>
    %dma_wait3A_63 = arith.constant 0 : i32
    %dma_wait3A_64 = arith.constant 0 : i32
    %dma_wait3A_65 = arith.constant 0 : i32
    %dma_wait3A_66 = tpu.memref_slice %arg7[%dma_wait3A_63, %dma_wait3A_64, %dma_wait3A_65] : memref<128x128x256xf32, #tpu.memory_space<vmem>> -> memref<32x128x256xf32, #tpu.memory_space<vmem>>
    %dma_wait3A_67 = arith.constant 0 : i32
    %dma_wait3A_68 = arith.constant 0 : i32
    %dma_wait3A_69 = arith.constant 0 : i32
    %dma_wait3A_70 = tpu.memref_slice %arg0[%dma_wait3A_67, %dma_wait3A_68, %dma_wait3A_69] : memref<128x128x256xf32, #tpu.memory_space<hbm>> -> memref<32x128x256xf32, #tpu.memory_space<hbm>>
    tpu.wait_dma2 semaphore(%dma_wait3A_62 : memref<!tpu.dma_semaphore, #tpu.memory_space<semaphore_mem>>) src(%dma_wait3A_70 : memref<32x128x256xf32, #tpu.memory_space<hbm>>) dst(%dma_wait3A_66 : memref<32x128x256xf32, #tpu.memory_space<vmem>>)
    %get3A_71 = arith.constant 0 : index
    %get3A_72 = arith.constant 0 : index
    %get3A_73 = arith.constant 0 : index
    %get3A_74 = vector.load %arg7[%get3A_71, %get3A_72, %get3A_73] : memref<128x128x256xf32, #tpu.memory_space<vmem>>, vector<32x128x256xf32>
    %reduce_sum3A_75 = arith.constant dense<0.000000e+00> : vector<128x256xf32>
    %reduce_sum3A_76 = vector.multi_reduction <add>, %get3A_74, %reduce_sum3A_75 [0] : vector<32x128x256xf32> to vector<128x256xf32>
    %reduce_sum3A_77 = arith.constant dense<0.000000e+00> : vector<256xf32>
    %reduce_sum3A_78 = vector.multi_reduction <add>, %reduce_sum3A_76, %reduce_sum3A_77 [0] : vector<128x256xf32> to vector<256xf32>
    %add3A_79 = arith.addf %broadcast_in_dim3A_58, %reduce_sum3A_78 : vector<256xf32>
    %mul3A_80 = arith.mulf %get3A_74, %get3A_74 : vector<32x128x256xf32>
    %reduce_sum3A_81 = arith.constant dense<0.000000e+00> : vector<128x256xf32>
    %reduce_sum3A_82 = vector.multi_reduction <add>, %mul3A_80, %reduce_sum3A_81 [0] : vector<32x128x256xf32> to vector<128x256xf32>
    %reduce_sum3A_83 = arith.constant dense<0.000000e+00> : vector<256xf32>
    %reduce_sum3A_84 = vector.multi_reduction <add>, %reduce_sum3A_82, %reduce_sum3A_83 [0] : vector<128x256xf32> to vector<256xf32>
    %add3A_85 = arith.addf %broadcast_in_dim3A_60, %reduce_sum3A_84 : vector<256xf32>
    %dma_wait3A_86 = arith.constant 1 : i32
    %dma_wait3A_87 = tpu.memref_slice %arg9[%dma_wait3A_86] : memref<4x!tpu.dma_semaphore, #tpu.memory_space<semaphore_mem>> -> memref<1x!tpu.dma_semaphore, #tpu.memory_space<semaphore_mem>>
    %dma_wait3A_88 = tpu.memref_squeeze %dma_wait3A_87 : memref<1x!tpu.dma_semaphore, #tpu.memory_space<semaphore_mem>> -> memref<!tpu.dma_semaphore, #tpu.memory_space<semaphore_mem>>
    %dma_wait3A_89 = arith.constant 32 : i32
    %dma_wait3A_90 = arith.constant 0 : i32
    %dma_wait3A_91 = arith.constant 0 : i32
    %dma_wait3A_92 = tpu.memref_slice %arg7[%dma_wait3A_89, %dma_wait3A_90, %dma_wait3A_91] : memref<128x128x256xf32, #tpu.memory_space<vmem>> -> memref<32x128x256xf32, #tpu.memory_space<vmem>>
    %dma_wait3A_93 = arith.constant 32 : i32
    %dma_wait3A_94 = arith.constant 0 : i32
    %dma_wait3A_95 = arith.constant 0 : i32
    %dma_wait3A_96 = tpu.memref_slice %arg0[%dma_wait3A_93, %dma_wait3A_94, %dma_wait3A_95] : memref<128x128x256xf32, #tpu.memory_space<hbm>> -> memref<32x128x256xf32, #tpu.memory_space<hbm>>
    tpu.wait_dma2 semaphore(%dma_wait3A_88 : memref<!tpu.dma_semaphore, #tpu.memory_space<semaphore_mem>>) src(%dma_wait3A_96 : memref<32x128x256xf32, #tpu.memory_space<hbm>>) dst(%dma_wait3A_92 : memref<32x128x256xf32, #tpu.memory_space<vmem>>)
    %get3A_97 = arith.constant 32 : index
    %get3A_98 = arith.constant 0 : index
    %get3A_99 = arith.constant 0 : index
    %get3A_100 = vector.load %arg7[%get3A_97, %get3A_98, %get3A_99] : memref<128x128x256xf32, #tpu.memory_space<vmem>>, vector<32x128x256xf32>
    %reduce_sum3A_101 = arith.constant dense<0.000000e+00> : vector<128x256xf32>
    %reduce_sum3A_102 = vector.multi_reduction <add>, %get3A_100, %reduce_sum3A_101 [0] : vector<32x128x256xf32> to vector<128x256xf32>
    %reduce_sum3A_103 = arith.constant dense<0.000000e+00> : vector<256xf32>
    %reduce_sum3A_104 = vector.multi_reduction <add>, %reduce_sum3A_102, %reduce_sum3A_103 [0] : vector<128x256xf32> to vector<256xf32>
    %add3A_105 = arith.addf %add3A_79, %reduce_sum3A_104 : vector<256xf32>
    %mul3A_106 = arith.mulf %get3A_100, %get3A_100 : vector<32x128x256xf32>
    %reduce_sum3A_107 = arith.constant dense<0.000000e+00> : vector<128x256xf32>
    %reduce_sum3A_108 = vector.multi_reduction <add>, %mul3A_106, %reduce_sum3A_107 [0] : vector<32x128x256xf32> to vector<128x256xf32>
    %reduce_sum3A_109 = arith.constant dense<0.000000e+00> : vector<256xf32>
    %reduce_sum3A_110 = vector.multi_reduction <add>, %reduce_sum3A_108, %reduce_sum3A_109 [0] : vector<128x256xf32> to vector<256xf32>
    %add3A_111 = arith.addf %add3A_85, %reduce_sum3A_110 : vector<256xf32>
    %dma_wait3A_112 = arith.constant 2 : i32
    %dma_wait3A_113 = tpu.memref_slice %arg9[%dma_wait3A_112] : memref<4x!tpu.dma_semaphore, #tpu.memory_space<semaphore_mem>> -> memref<1x!tpu.dma_semaphore, #tpu.memory_space<semaphore_mem>>
    %dma_wait3A_114 = tpu.memref_squeeze %dma_wait3A_113 : memref<1x!tpu.dma_semaphore, #tpu.memory_space<semaphore_mem>> -> memref<!tpu.dma_semaphore, #tpu.memory_space<semaphore_mem>>
    %dma_wait3A_115 = arith.constant 64 : i32
    %dma_wait3A_116 = arith.constant 0 : i32
    %dma_wait3A_117 = arith.constant 0 : i32
    %dma_wait3A_118 = tpu.memref_slice %arg7[%dma_wait3A_115, %dma_wait3A_116, %dma_wait3A_117] : memref<128x128x256xf32, #tpu.memory_space<vmem>> -> memref<32x128x256xf32, #tpu.memory_space<vmem>>
    %dma_wait3A_119 = arith.constant 64 : i32
    %dma_wait3A_120 = arith.constant 0 : i32
    %dma_wait3A_121 = arith.constant 0 : i32
    %dma_wait3A_122 = tpu.memref_slice %arg0[%dma_wait3A_119, %dma_wait3A_120, %dma_wait3A_121] : memref<128x128x256xf32, #tpu.memory_space<hbm>> -> memref<32x128x256xf32, #tpu.memory_space<hbm>>
    tpu.wait_dma2 semaphore(%dma_wait3A_114 : memref<!tpu.dma_semaphore, #tpu.memory_space<semaphore_mem>>) src(%dma_wait3A_122 : memref<32x128x256xf32, #tpu.memory_space<hbm>>) dst(%dma_wait3A_118 : memref<32x128x256xf32, #tpu.memory_space<vmem>>)
    %get3A_123 = arith.constant 64 : index
    %get3A_124 = arith.constant 0 : index
    %get3A_125 = arith.constant 0 : index
    %get3A_126 = vector.load %arg7[%get3A_123, %get3A_124, %get3A_125] : memref<128x128x256xf32, #tpu.memory_space<vmem>>, vector<32x128x256xf32>
    %reduce_sum3A_127 = arith.constant dense<0.000000e+00> : vector<128x256xf32>
    %reduce_sum3A_128 = vector.multi_reduction <add>, %get3A_126, %reduce_sum3A_127 [0] : vector<32x128x256xf32> to vector<128x256xf32>
    %reduce_sum3A_129 = arith.constant dense<0.000000e+00> : vector<256xf32>
    %reduce_sum3A_130 = vector.multi_reduction <add>, %reduce_sum3A_128, %reduce_sum3A_129 [0] : vector<128x256xf32> to vector<256xf32>
    %add3A_131 = arith.addf %add3A_105, %reduce_sum3A_130 : vector<256xf32>
    %mul3A_132 = arith.mulf %get3A_126, %get3A_126 : vector<32x128x256xf32>
    %reduce_sum3A_133 = arith.constant dense<0.000000e+00> : vector<128x256xf32>
    %reduce_sum3A_134 = vector.multi_reduction <add>, %mul3A_132, %reduce_sum3A_133 [0] : vector<32x128x256xf32> to vector<128x256xf32>
    %reduce_sum3A_135 = arith.constant dense<0.000000e+00> : vector<256xf32>
    %reduce_sum3A_136 = vector.multi_reduction <add>, %reduce_sum3A_134, %reduce_sum3A_135 [0] : vector<128x256xf32> to vector<256xf32>
    %add3A_137 = arith.addf %add3A_111, %reduce_sum3A_136 : vector<256xf32>
    %dma_wait3A_138 = arith.constant 3 : i32
    %dma_wait3A_139 = tpu.memref_slice %arg9[%dma_wait3A_138] : memref<4x!tpu.dma_semaphore, #tpu.memory_space<semaphore_mem>> -> memref<1x!tpu.dma_semaphore, #tpu.memory_space<semaphore_mem>>
    %dma_wait3A_140 = tpu.memref_squeeze %dma_wait3A_139 : memref<1x!tpu.dma_semaphore, #tpu.memory_space<semaphore_mem>> -> memref<!tpu.dma_semaphore, #tpu.memory_space<semaphore_mem>>
    %dma_wait3A_141 = arith.constant 96 : i32
    %dma_wait3A_142 = arith.constant 0 : i32
    %dma_wait3A_143 = arith.constant 0 : i32
    %dma_wait3A_144 = tpu.memref_slice %arg7[%dma_wait3A_141, %dma_wait3A_142, %dma_wait3A_143] : memref<128x128x256xf32, #tpu.memory_space<vmem>> -> memref<32x128x256xf32, #tpu.memory_space<vmem>>
    %dma_wait3A_145 = arith.constant 96 : i32
    %dma_wait3A_146 = arith.constant 0 : i32
    %dma_wait3A_147 = arith.constant 0 : i32
    %dma_wait3A_148 = tpu.memref_slice %arg0[%dma_wait3A_145, %dma_wait3A_146, %dma_wait3A_147] : memref<128x128x256xf32, #tpu.memory_space<hbm>> -> memref<32x128x256xf32, #tpu.memory_space<hbm>>
    tpu.wait_dma2 semaphore(%dma_wait3A_140 : memref<!tpu.dma_semaphore, #tpu.memory_space<semaphore_mem>>) src(%dma_wait3A_148 : memref<32x128x256xf32, #tpu.memory_space<hbm>>) dst(%dma_wait3A_144 : memref<32x128x256xf32, #tpu.memory_space<vmem>>)
    %get3A_149 = arith.constant 96 : index
    %get3A_150 = arith.constant 0 : index
    %get3A_151 = arith.constant 0 : index
    %get3A_152 = vector.load %arg7[%get3A_149, %get3A_150, %get3A_151] : memref<128x128x256xf32, #tpu.memory_space<vmem>>, vector<32x128x256xf32>
    %reduce_sum3A_153 = arith.constant dense<0.000000e+00> : vector<128x256xf32>
    %reduce_sum3A_154 = vector.multi_reduction <add>, %get3A_152, %reduce_sum3A_153 [0] : vector<32x128x256xf32> to vector<128x256xf32>
    %reduce_sum3A_155 = arith.constant dense<0.000000e+00> : vector<256xf32>
    %reduce_sum3A_156 = vector.multi_reduction <add>, %reduce_sum3A_154, %reduce_sum3A_155 [0] : vector<128x256xf32> to vector<256xf32>
    %add3A_157 = arith.addf %add3A_131, %reduce_sum3A_156 : vector<256xf32>
    %mul3A_158 = arith.mulf %get3A_152, %get3A_152 : vector<32x128x256xf32>
    %reduce_sum3A_159 = arith.constant dense<0.000000e+00> : vector<128x256xf32>
    %reduce_sum3A_160 = vector.multi_reduction <add>, %mul3A_158, %reduce_sum3A_159 [0] : vector<32x128x256xf32> to vector<128x256xf32>
    %reduce_sum3A_161 = arith.constant dense<0.000000e+00> : vector<256xf32>
    %reduce_sum3A_162 = vector.multi_reduction <add>, %reduce_sum3A_160, %reduce_sum3A_161 [0] : vector<128x256xf32> to vector<256xf32>
    %add3A_163 = arith.addf %add3A_137, %reduce_sum3A_162 : vector<256xf32>
    %get3A_164 = arith.constant 0 : index
    %get3A_165 = arith.constant 0 : index
    %get3A_166 = vector.load %arg1[%get3A_164, %get3A_165] : memref<128x128xf32, #tpu.memory_space<vmem>>, vector<128x128xf32>
    %reduce_sum3A_167 = vector.shape_cast %get3A_166 : vector<128x128xf32> to vector<1x128x128xf32>
    %reduce_sum3A_168 = arith.constant dense<0.000000e+00> : vector<1xf32>
    %reduce_sum3A_169 = vector.multi_reduction <add>, %reduce_sum3A_167, %reduce_sum3A_168 [1, 2] : vector<1x128x128xf32> to vector<1xf32>
    %reduce_sum3A_170 = vector.shape_cast %reduce_sum3A_169 : vector<1xf32> to vector<1x1x1xf32>
    %reduce_sum3A_171 = vector.extract %reduce_sum3A_170[0, 0, 0] : f32 from vector<1x1x1xf32>
    %mul3A_172 = arith.constant 6.10351563E-5 : f32
    %mul3A_173 = arith.mulf %reduce_sum3A_171, %mul3A_172 : f32
    %mul3A_174 = arith.mulf %get3A_166, %get3A_166 : vector<128x128xf32>
    %reduce_sum3A_175 = vector.shape_cast %mul3A_174 : vector<128x128xf32> to vector<1x128x128xf32>
    %reduce_sum3A_176 = arith.constant dense<0.000000e+00> : vector<1xf32>
    %reduce_sum3A_177 = vector.multi_reduction <add>, %reduce_sum3A_175, %reduce_sum3A_176 [1, 2] : vector<1x128x128xf32> to vector<1xf32>
    %reduce_sum3A_178 = vector.shape_cast %reduce_sum3A_177 : vector<1xf32> to vector<1x1x1xf32>
    %reduce_sum3A_179 = vector.extract %reduce_sum3A_178[0, 0, 0] : f32 from vector<1x1x1xf32>
    %mul3A_180 = arith.constant 6.10351563E-5 : f32
    %mul3A_181 = arith.mulf %reduce_sum3A_179, %mul3A_180 : f32
    %mul3A_182 = arith.mulf %mul3A_173, %mul3A_173 : f32
    %sub3A = arith.subf %mul3A_181, %mul3A_182 : f32
    %mul3A_183 = arith.constant 6.10351563E-5 : f32
    %mul3A_184 = vector.broadcast %mul3A_183 : f32 to vector<256xf32>
    %mul3A_185 = arith.mulf %add3A_157, %mul3A_184 : vector<256xf32>
    %mul3A_186 = arith.constant 6.10351563E-5 : f32
    %mul3A_187 = vector.broadcast %mul3A_186 : f32 to vector<256xf32>
    %mul3A_188 = arith.mulf %add3A_163, %mul3A_187 : vector<256xf32>
    %mul3A_189 = arith.mulf %mul3A_185, %mul3A_185 : vector<256xf32>
    %sub3A_190 = arith.subf %mul3A_188, %mul3A_189 : vector<256xf32>
    %slice3A = vector.extract_strided_slice %mul3A {offsets = [0], sizes = [256], strides = [1]} : vector<257xf32> to vector<256xf32>
    %add3A_191 = arith.constant 9.99999974E-6 : f32
    %add3A_192 = vector.broadcast %add3A_191 : f32 to vector<256xf32>
    %add3A_193 = arith.addf %sub3A_190, %add3A_192 : vector<256xf32>
    %rsqrt3A = math.rsqrt %add3A_193 : vector<256xf32>
    %mul3A_194 = arith.mulf %slice3A, %rsqrt3A : vector<256xf32>
    %slice3A_195 = vector.extract_strided_slice %mul3A {offsets = [256], sizes = [1], strides = [1]} : vector<257xf32> to vector<1xf32>
    %squeeze3A = vector.extract %slice3A_195[0] : f32 from vector<1xf32>
    %add3A_196 = arith.constant 9.99999974E-6 : f32
    %add3A_197 = arith.addf %sub3A, %add3A_196 : f32
    %rsqrt3A_198 = math.rsqrt %add3A_197 : f32
    %mul3A_199 = arith.mulf %squeeze3A, %rsqrt3A_198 : f32
    %mul3A_200 = arith.mulf %mul3A_194, %mul3A_185 : vector<256xf32>
    %reduce_sum3A_201 = vector.shape_cast %mul3A_200 : vector<256xf32> to vector<1x256xf32>
    %reduce_sum3A_202 = arith.constant dense<0.000000e+00> : vector<1xf32>
    %reduce_sum3A_203 = vector.multi_reduction <add>, %reduce_sum3A_201, %reduce_sum3A_202 [1] : vector<1x256xf32> to vector<1xf32>
    %reduce_sum3A_204 = vector.shape_cast %reduce_sum3A_203 : vector<1xf32> to vector<1x1xf32>
    %reduce_sum3A_205 = vector.extract %reduce_sum3A_204[0, 0] : f32 from vector<1x1xf32>
    %sub3A_206 = arith.subf %add3A, %reduce_sum3A_205 : f32
    %mul3A_207 = arith.mulf %mul3A_199, %mul3A_173 : f32
    %sub3A_208 = arith.subf %sub3A_206, %mul3A_207 : f32
    %get3A_209 = arith.constant 0 : index
    %get3A_210 = arith.constant 0 : index
    %get3A_211 = arith.constant 0 : index
    %get3A_212 = vector.load %arg7[%get3A_209, %get3A_210, %get3A_211] : memref<128x128x256xf32, #tpu.memory_space<vmem>>, vector<32x128x256xf32>
    %broadcast_in_dim3A_213 = vector.shape_cast %mul3A_194 : vector<256xf32> to vector<1x1x256xf32>
    %mul3A_214 = vector.broadcast %broadcast_in_dim3A_213 : vector<1x1x256xf32> to vector<32x128x256xf32>
    %mul3A_215 = arith.mulf %get3A_212, %mul3A_214 : vector<32x128x256xf32>
    %reduce_sum3A_216 = arith.constant dense<0.000000e+00> : vector<32x128xf32>
    %reduce_sum3A_217 = vector.multi_reduction <add>, %mul3A_215, %reduce_sum3A_216 [2] : vector<32x128x256xf32> to vector<32x128xf32>
    %swap3A = arith.constant 0 : index
    %swap3A_218 = arith.constant 0 : index
    %swap3A_219 = vector.load %arg8[%swap3A, %swap3A_218] : memref<128x128xf32, #tpu.memory_space<vmem>>, vector<32x128xf32>
    tpu.vector_store %arg8[%swap3A, %swap3A_218], %reduce_sum3A_217 {strides = array<i32>} : memref<128x128xf32, #tpu.memory_space<vmem>>, vector<32x128xf32>,
    %get3A_220 = arith.constant 32 : index
    %get3A_221 = arith.constant 0 : index
    %get3A_222 = arith.constant 0 : index
    %get3A_223 = vector.load %arg7[%get3A_220, %get3A_221, %get3A_222] : memref<128x128x256xf32, #tpu.memory_space<vmem>>, vector<32x128x256xf32>
    %broadcast_in_dim3A_224 = vector.shape_cast %mul3A_194 : vector<256xf32> to vector<1x1x256xf32>
    %mul3A_225 = vector.broadcast %broadcast_in_dim3A_224 : vector<1x1x256xf32> to vector<32x128x256xf32>
    %mul3A_226 = arith.mulf %get3A_223, %mul3A_225 : vector<32x128x256xf32>
    %reduce_sum3A_227 = arith.constant dense<0.000000e+00> : vector<32x128xf32>
    %reduce_sum3A_228 = vector.multi_reduction <add>, %mul3A_226, %reduce_sum3A_227 [2] : vector<32x128x256xf32> to vector<32x128xf32>
    %swap3A_229 = arith.constant 32 : index
    %swap3A_230 = arith.constant 0 : index
    %swap3A_231 = vector.load %arg8[%swap3A_229, %swap3A_230] : memref<128x128xf32, #tpu.memory_space<vmem>>, vector<32x128xf32>
    tpu.vector_store %arg8[%swap3A_229, %swap3A_230], %reduce_sum3A_228 {strides = array<i32>} : memref<128x128xf32, #tpu.memory_space<vmem>>, vector<32x128xf32>,
    %get3A_232 = arith.constant 64 : index
    %get3A_233 = arith.constant 0 : index
    %get3A_234 = arith.constant 0 : index
    %get3A_235 = vector.load %arg7[%get3A_232, %get3A_233, %get3A_234] : memref<128x128x256xf32, #tpu.memory_space<vmem>>, vector<32x128x256xf32>
    %broadcast_in_dim3A_236 = vector.shape_cast %mul3A_194 : vector<256xf32> to vector<1x1x256xf32>
    %mul3A_237 = vector.broadcast %broadcast_in_dim3A_236 : vector<1x1x256xf32> to vector<32x128x256xf32>
    %mul3A_238 = arith.mulf %get3A_235, %mul3A_237 : vector<32x128x256xf32>
    %reduce_sum3A_239 = arith.constant dense<0.000000e+00> : vector<32x128xf32>
    %reduce_sum3A_240 = vector.multi_reduction <add>, %mul3A_238, %reduce_sum3A_239 [2] : vector<32x128x256xf32> to vector<32x128xf32>
    %swap3A_241 = arith.constant 64 : index
    %swap3A_242 = arith.constant 0 : index
    %swap3A_243 = vector.load %arg8[%swap3A_241, %swap3A_242] : memref<128x128xf32, #tpu.memory_space<vmem>>, vector<32x128xf32>
    tpu.vector_store %arg8[%swap3A_241, %swap3A_242], %reduce_sum3A_240 {strides = array<i32>} : memref<128x128xf32, #tpu.memory_space<vmem>>, vector<32x128xf32>,
    %get3A_244 = arith.constant 96 : index
    %get3A_245 = arith.constant 0 : index
    %get3A_246 = arith.constant 0 : index
    %get3A_247 = vector.load %arg7[%get3A_244, %get3A_245, %get3A_246] : memref<128x128x256xf32, #tpu.memory_space<vmem>>, vector<32x128x256xf32>
    %broadcast_in_dim3A_248 = vector.shape_cast %mul3A_194 : vector<256xf32> to vector<1x1x256xf32>
    %mul3A_249 = vector.broadcast %broadcast_in_dim3A_248 : vector<1x1x256xf32> to vector<32x128x256xf32>
    %mul3A_250 = arith.mulf %get3A_247, %mul3A_249 : vector<32x128x256xf32>
    %reduce_sum3A_251 = arith.constant dense<0.000000e+00> : vector<32x128xf32>
    %reduce_sum3A_252 = vector.multi_reduction <add>, %mul3A_250, %reduce_sum3A_251 [2] : vector<32x128x256xf32> to vector<32x128xf32>
    %swap3A_253 = arith.constant 96 : index
    %swap3A_254 = arith.constant 0 : index
    %swap3A_255 = vector.load %arg8[%swap3A_253, %swap3A_254] : memref<128x128xf32, #tpu.memory_space<vmem>>, vector<32x128xf32>
    tpu.vector_store %arg8[%swap3A_253, %swap3A_254], %reduce_sum3A_252 {strides = array<i32>} : memref<128x128xf32, #tpu.memory_space<vmem>>, vector<32x128xf32>,
    %get3A_256 = arith.constant 0 : index
    %get3A_257 = arith.constant 0 : index
    %get3A_258 = vector.load %arg8[%get3A_256, %get3A_257] : memref<128x128xf32, #tpu.memory_space<vmem>>, vector<128x128xf32>
    %mul3A_259 = vector.broadcast %mul3A_199 : f32 to vector<128x128xf32>
    %mul3A_260 = arith.mulf %get3A_166, %mul3A_259 : vector<128x128xf32>
    %add3A_261 = arith.addf %get3A_258, %mul3A_260 : vector<128x128xf32>
    %add3A_262 = vector.broadcast %sub3A_208 : f32 to vector<128x128xf32>
    %add3A_263 = arith.addf %add3A_261, %add3A_262 : vector<128x128xf32>
    %logistic3A = arith.negf %add3A_263 : vector<128x128xf32>
    %logistic3A_264 = math.exp %logistic3A : vector<128x128xf32>
    %logistic3A_265 = arith.constant 1.000000e+00 : f32
    %logistic3A_266 = vector.broadcast %logistic3A_265 : f32 to vector<128x128xf32>
    %logistic3A_267 = arith.addf %logistic3A_266, %logistic3A_264 : vector<128x128xf32>
    %logistic3A_268 = arith.divf %logistic3A_266, %logistic3A_267 : vector<128x128xf32>
    %swap3A_269 = arith.constant 0 : index
    %swap3A_270 = arith.constant 0 : index
    %swap3A_271 = vector.load %arg6[%swap3A_269, %swap3A_270] : memref<128x128xf32, #tpu.memory_space<vmem>>, vector<128x128xf32>
    tpu.vector_store %arg6[%swap3A_269, %swap3A_270], %logistic3A_268 {strides = array<i32>} : memref<128x128xf32, #tpu.memory_space<vmem>>, vector<128x128xf32>,
    return
  }
}

</mosaic_0001>

<sc_bundles>
// kernel: kernel.4.cloned.1.call-start
scs
__scs_entry_jumppad:
0x0: {  	(pc) =	sbr.rel $0x88, $3  }
0x1: {  	(tag) =	ssettag $0x0;
	lr =	simm.s32 $0x1  }
0x2: {  	[smem:$0x3F9B] =	sst lr;
	_ =	strace $0xD0000000  }
0x3: {  	_ = 	snop  }
0x4: {  	_ = 	snop  }
0x5: {  	_ = 	snop  }
0x6: {  	_ = 	snop  }
0x7: {  	_ = 	snop  }
__scs_overlays_trampoline_lowered:
0x8: {  	[smem:$0x3FAA] =	sst s0  }
0x9: {  	[smem:$0x3FAB] =	sst s1  }
0xa: {  	[smem:$0x3FAC] =	sst s2  }
0xb: {  	[smem:$0x3FAD] =	sst s3  }
0xc: {  	[smem:$0x3FAE] =	sst s4  }
0xd: {  	[smem:$0x3FAF] =	sst s5  }
0xe: {  	[smem:$0x3FB0] =	sst s6  }
0xf: {  	[smem:$0x3FB1] =	sst s7  }
0x10: {  	[smem:$0x3FB2] =	sst s8  }
0x11: {  	[smem:$0x3FB3] =	sst s9;
	s0 =	simm.s32 @!p0 $0x0  }
0x12: {  	s1 =	sld [smem:$0x3F99];
	s0 =	simm.s32 @p0 $0x1  }
0x13: {  	[smem:$0x3FB4] =	sst s0;
	s0 =	simm.s32 @!p1 $0x0  }
0x14: {  	s2 =	sld [smem:$0x3F98];
	s0 =	simm.s32 @p1 $0x1  }
0x15: {  	[smem:$0x3FB5] =	sst s0;
	s0 =	simm.s32 @!p2 $0x0  }
0x16: {  	s3 =	sld [smem:$0x3FDB];
	s0 =	simm.s32 @p2 $0x1  }
0x17: {  	s4 =	simm.s32 $0x1BF5;
	[smem:$0x3FB7] =	sst s0  }
0x18: {  	s0 =	sld [smem:$0x3F9A];
	_ =	swait.ge [sflag:s4], $0x0  }
0x19: {  	s7 =	sld [smem:$0x3F9B]  }
0x1a: {  	s8 =	sadd.s32 $0xFFFFE003, lr  }
0x1b: {  	s9 =	sadd.s32 $0xFFFFFEF7, lr;
	s5 =	simm.s32 $0xFFFFFFFF;
	p2 =	slt.u32 s8, $0xFFFFF086  }
0x1c: {  	p1 =	slt.u32 s9, $0xF7A;
	s5 =	simm.s32 @!p2 $0x0  }
0x1d: {  	s5 =	simm.s32 @p1 $0x1;
	p0 =	seq.s32 s7, s2  }
0x1e: {  	s7 =	smul.u32 @!p0 $0xF7A, s2;
	p2 =	seq.s32 @!p0 s5, $0x0  }
0x1f: {  	s9 =	smul.u32 $0xF7A, s1;
	s8 =	simm.s32 @!p0 $0x1BF5;
	p2 =	por !p2, p0  }
0x20: {  	[sflag:s8] =	ssyncset.s32 @!p0 $0xFFFFF086;
	s6 =	sadd.s32 @!p0 s3, s7;
	s7 =	simm.s32 @!p0 $0x108  }
0x21: {  	s3 =	sadd.s32 s3, s9;
	s6 =	sadd.s32 @!p0 $0x88, s6;
	s7 =	simm.s32 @p2 $0x1082  }
0x22: {  	[simem:s7], [sflag:s8] =	dma.local @!p0 [hbm:s6], $0xF7A  }
0x23: {  	s9 =	sor.u32 $0xD0000000, s2;
	s6 =	simm.s32 $0x108;
	_ =	swait.ge @!p0 [sflag:s8], $0x0  }
0x24: {  	s3 =	sadd.s32 $0x88, s3;
	s6 =	simm.s32 @!p1 $0x1082;
	[sflag:s4] =	ssyncset.s32 $0xFFFFF086  }
0x25: {  	[simem:s6], [sflag:s4] =	dma.local [hbm:s3], $0xF7A  }
0x26: {  	[smem:$0x3F9B] =	sst s1;
	(tag) =	ssettag s2;
	_ =	strace s9  }
0x27: {  	s1 =	sld [smem:$0x3FAB]  }
0x28: {  	s2 =	sld [smem:$0x3FAC]  }
0x29: {  	s4 =	sld [smem:$0x3FAE]  }
0x2a: {  	p0 =	seq.s32 s5, $0x0;
	s5 =	sld [smem:$0x3FAF]  }
0x2b: {  	s6 =	sld [smem:$0x3FB0]  }
0x2c: {  	s7 =	sld [smem:$0x3FB1]  }
0x2d: {  	s3 =	simm.s32 $0x108;
	s8 =	sld [smem:$0x3FB2]  }
0x2e: {  	s3 =	simm.s32 @!p0 $0x1082;
	s9 =	sld [smem:$0x3FB3]  }
0x2f: {  	lr =	sadd.s32 s0, s3;
	s0 =	sld [smem:$0x3FAA]  }
0x30: {  	s3 =	sld [smem:$0x3FAD]  }
0x31: {  	[smem:$0x3FB6] =	sst s10  }
0x32: {  	s10 =	sld [smem:$0x3FB4];
	_ =	sdelay $0x3  }
0x33: {  	p0 =	seq.s32 s10, $0x1;
	s10 =	sld [smem:$0x3FB6];
	_ =	sdelay $0x3  }
0x34: {  	[smem:$0x3FB6] =	sst s10  }
0x35: {  	s10 =	sld [smem:$0x3FB5];
	_ =	sdelay $0x3  }
0x36: {  	p1 =	seq.s32 s10, $0x1;
	s10 =	sld [smem:$0x3FB6];
	_ =	sdelay $0x3  }
0x37: {  	[smem:$0x3FB6] =	sst s10  }
0x38: {  	s10 =	sld [smem:$0x3FB7]  }
0x39: {  	_ = 	snop;
	(pc) =	sbr.ind lr, $3  }
0x3a: {  	_ = 	snop  }
0x3b: {  	_ = 	snop  }
0x3c: {  	p2 =	seq.s32 s10, $0x1;
	s10 =	sld [smem:$0x3FB6]  }
0x3d: {  	_ =	shalt  }
0x3e: {  	_ =	shalt  }
0x3f: {  	_ =	shalt  }
0x40: {  	_ =	shalt  }
0x41: {  	_ =	shalt  }
0x42: {  	_ =	shalt  }
0x43: {  	_ =	shalt  }
0x44: {  	_ =	shalt  }
0x45: {  	_ =	shalt  }
0x46: {  	_ =	shalt  }
0x47: {  	_ =	shalt  }
0x48: {  	_ =	shalt  }
0x49: {  	_ =	shalt  }
0x4a: {  	_ =	shalt  }
0x4b: {  	_ =	shalt  }
0x4c: {  	_ =	shalt  }
0x4d: {  	_ =	shalt  }
0x4e: {  	_ =	shalt  }
0x4f: {  	_ =	shalt  }
0x50: {  	_ =	shalt  }
0x51: {  	_ =	shalt  }
0x52: {  	_ =	shalt  }
0x53: {  	_ =	shalt  }
0x54: {  	_ =	shalt  }
0x55: {  	_ =	shalt  }
0x56: {  	_ =	shalt  }
0x57: {  	_ =	shalt  }
0x58: {  	_ =	shalt  }
0x59: {  	_ =	shalt  }
0x5a: {  	_ =	shalt  }
0x5b: {  	_ =	shalt  }
0x5c: {  	_ =	shalt  }
0x5d: {  	_ =	shalt  }
0x5e: {  	_ =	shalt  }
0x5f: {  	_ =	shalt  }
0x60: {  	_ =	shalt  }
0x61: {  	_ =	shalt  }
0x62: {  	_ =	shalt  }
0x63: {  	_ =	shalt  }
0x64: {  	_ =	shalt  }
0x65: {  	_ =	shalt  }
0x66: {  	_ =	shalt  }
0x67: {  	_ =	shalt  }
0x68: {  	_ =	shalt  }
0x69: {  	_ =	shalt  }
0x6a: {  	_ =	shalt  }
0x6b: {  	_ =	shalt  }
0x6c: {  	_ =	shalt  }
0x6d: {  	_ =	shalt  }
0x6e: {  	_ =	shalt  }
0x6f: {  	_ =	shalt  }
0x70: {  	_ =	shalt  }
0x71: {  	_ =	shalt  }
0x72: {  	_ =	shalt  }
0x73: {  	_ =	shalt  }
0x74: {  	_ =	shalt  }
0x75: {  	_ =	shalt  }
0x76: {  	_ =	shalt  }
0x77: {  	_ =	shalt  }
0x78: {  	_ =	shalt  }
0x79: {  	_ =	shalt  }
0x7a: {  	_ =	shalt  }
0x7b: {  	_ =	shalt  }
0x7c: {  	_ =	shalt  }
0x7d: {  	_ =	shalt  }
0x7e: {  	_ =	shalt  }
0x7f: {  	_ =	shalt  }
0x80: {  	_ =	shalt  }
0x81: {  	_ =	shalt  }
0x82: {  	_ =	shalt  }
0x83: {  	_ =	shalt  }
0x84: {  	_ =	shalt  }
0x85: {  	_ =	shalt  }
0x86: {  	_ =	shalt  }
0x87: {  	_ =	shalt  }
.Lfunc_end0:
.L_simem_size_0:
called_computation_lowered:
.L_overlay_start_0:
0x88: {  	s2 =	sld [smem:$0x3FD9]  }
0x89: {  	s3 =	sld [smem:$0x3FFE];
	_ =	sdelay $0x1  }
0x8a: {  	s1 =	srdreg.scid  }
0x8b: {  	s0 =	sand.u32 $0x1, s1  }
0x8c: {  	s17 =	sshll.u32 s0, $0xA;
	s2 =	sadd.s32 s3, s2  }
0x8d: {  	s2 =	sadd.s32 s2, s17  }
0x8e: {  	[smem:$0x3FC2] =	sst s2  }
0x8f: {  	_ = 	snop  }
0x90: {  	s2 =	sld [smem:$0x3FC8]  }
0x91: {  	s18 =	sld [smem:$0x3FD0];
	(tm) =	ssettm $0x1  }
0x92: {  	s4 =	sld [smem:$0x3FFB];
	_ =	sdelay $0x3  }
0x93: {  	_ =	strace s4  }
0x94: {  	s4 =	sld [smem:$0x3FFC];
	_ =	sdelay $0x3  }
0x95: {  	_ =	strace s4  }
0x96: {  	s4 =	sld [smem:$0x3FFD];
	_ =	sdelay $0x3  }
0x97: {  	_ =	strace s4  }
0x98: {  	_ =	strace $0x8FFFFFFF  }
0x99: {  	s19 =	sld [smem:$0x3FDB];
	_ =	sdelay $0x1  }
0x9a: {  	s5 =	simm.s32 $_scs_section_size  }
0x9b: {  	s6 =	simm.s32 $_size__tile_overlayer_lowered;
	s7 =	simm.s32 $_tile_overlayer_lowered  }
0x9c: {  	s22 =	simm.s32 $0x1BFF;
	s21 =	sshll.u32 s7, $0x1;
	s4 =	sadd.s32 s5, s19  }
0x9d: {  	s8 =	simm.s32 $0x0;
	s20 =	sshll.u32 s6, $0x1;
	s6 =	sadd.s32 s21, s4  }
0x9e: {  	[timem:s8], [sflag:s22] =	dma.local [hbm:s6], s20  }
0x9f: {  	_ =	swait.ge [sflag:s22], s20  }
0xa0: {  	s5 =	ssub.s32 $0x0, s20;
	[sflag:s22] =	ssyncset.done $0x0  }
0xa1: {  	[sflag:s22] =	ssyncadd.s32 s5;
	_ =	sdelay $0x1  }
0xa2: {  	s23 =	simm.s32 $0x1B8B  }
0xa3: {  	_ =	swait.ge [sflag:s23], $0x1  }
0xa4: {  	[sflag:s23] =	ssyncset.done $0x0  }
0xa5: {  	s25 =	simm.s32 $0x1B8E;
	s24 =	sld [smem:$0x3FFE];
	[sflag:s23] =	ssyncadd.s32 $0xFFFFFFFF  }
0xa6: {  	s26 =	simm.s32 $execute0_lowered;
	[smem:$0x3FD2] =	sst s25  }
0xa7: {  	s6 =	sshll.u32 s26, $0x1;
	_ =	strace $0x80000046;
	[dreg:$0x1] =	wrdreg $0xFFFFFFFF  }
0xa8: {  	s28 =	simm.s32 $_size_execute0_lowered;
	s4 =	sadd.s32 s4, s6;
	[dreg:$0x0] =	wrdreg $0x0  }
0xa9: {  	s6 =	sshll.u32 s28, $0x1;
	[dreg:$0x2] =	wrdreg s4  }
0xaa: {  	[dreg:$0x3] =	wrdreg s6  }
0xab: {  	[dreg:$0x4] =	wrdreg $0xC0  }
0xac: {  	_ =	task [dreg:s8], $0x5FFFF  }
0xad: {  	[dreg:$0x1] =	wrdreg $0xFFFFFFFF  }
0xae: {  	[dreg:$0x0] =	wrdreg $0x60  }
0xaf: {  	[dreg:$0x2] =	wrdreg s2  }
0xb0: {  	[dreg:$0x3] =	wrdreg s24  }
0xb1: {  	[dreg:$0x4] =	wrdreg s18  }
0xb2: {  	[dreg:$0x5] =	wrdreg $0x9  }
0xb3: {  	_ =	task.clear_ibuf [dreg:s8], $0x6FFFF;
	_ =	strace $0x90000046  }
0xb4: {  	s29 =	simm.s32 $0x9;
	_ =	strace $0x80000048  }
0xb5: {  	_ =	swait.ge [sflag:s29], $0x1  }
0xb6: {  	[sflag:s29] =	ssyncadd.s32 $0xFFFFFFFF  }
0xb7: {  	_ =	strace $0x90000048  }
0xb8: {  	_ =	sfence  }
0xb9: {  	s30 =	sld [smem:$0x0];
	_ =	sdelay $0x2  }
0xba: {  	s31 =	sshll.u32 s1, $0xD;
	s1 =	sshrl.u32 s1, $0x2  }
0xbb: {  	s3 =	sand.u32 $0x4000, s31;
	s1 =	sadd.s32 s1, s30  }
0xbc: {  	s0 =	sor.u32 s3, s0;
	s1 =	sshll.u32 s1, $0x11  }
0xbd: {  	s0 =	sor.u32 s1, s0  }
0xbe: {  	s0 =	sadd.s32 $0x8F2B, s0  }
0xbf: {  	[sflag:s0] =	ssyncadd.remote.s32 $0x1  }
0xc0: {  	_ =	sfence.sel $0xFFFF  }
0xc1: {  	[dreg:$0x0] =	wrdreg $0xFFFFFFFF;
	(pc) =	sbr.abs _section_cstart, $3  }
0xc2: {  	[dreg:$0x1] =	wrdreg $0xFFFFFFFF  }
0xc3: {  	_ =	task.clear_ibuf [dreg:s8], $0x2FFFF;
	_ =	strace $0x9FFFFFFF  }
0xc4: {  	(tm) =	ssettm $0x7FFFFFFF  }
0xc5: {  	_ =	shalt  }
tec
execute0_lowered:
.L_overlay_start_1:
0x0: {  	(tag) =	ssettag $0x1  }
0x1: {  	s2 =	rddreg [dreg:$0x0]  }
0x2: {  	s0 =	rddreg [dreg:$0x1]  }
0x3: {  	s1 =	rddreg [dreg:$0x2];
	s3 =	srdreg.scid  }
0x4: {  	s6 =	stileid.u32;
	s10 =	simm.s32 $0x0;
	s26 =	simm.s32 $0xD  }
0x5: {  	s25 =	simm.s32 $0x200;
	s29 =	simm.s32 $0x100;
	s30 =	simm.s32 $0x180  }
0x6: {  	s31 =	simm.s32 $0x280;
	s11 =	simm.s32 $0x1;
	s28 =	simm.s32 $0x300  }
0x7: {  	s8 =	simm.s32 $0x2;
	s24 =	simm.s32 $0x380;
	s23 =	simm.s32 $0x3  }
0x8: {  	s22 =	simm.s32 $0x4;
	p0 =	por $0x0, $0x0;
	s12 =	simm.s32 $0xB  }
0x9: {  	s9 =	simm.s32 $0xC;
	s3 =	sand.u32 $0x1, s3;
	s4 =	sshll.u32 s6, $0x7  }
0xa: {  	[smem:$0x7FF] =	sst s10;
	s6 =	sshll.u32 s6, $0xF;
	s5 =	sshll.u32 s3, $0x6  }
0xb: {  	s7 =	sshll.u32 s3, $0xE;
	_ =	strace $0x80000047;
	s3 =	ssub.s32 $0x2, s3  }
0xc: {  	s4 =	sor.u32 s5, s4;
	s6 =	sor.u32 s7, s6;
	s19 =	sshrl.u32 s3, $0x1  }
0xd: {  	s7 =	simm.s32 $0x800;
	s5 =	sadd.s32 s4, s0;
	s1 =	sadd.s32 s1, s4  }
0xe: {  	s0 =	sadd.s32 s6, s0;
	s5 =	sadd.s32 $0xE00, s5;
	[dreg:$0x5] =	wrdreg s1  }
0xf: {  	s3 =	ssub.s32 s3, s19;
	s13 =	sadd.s32 $0x1600, s0;
	[dreg:$0x4] =	wrdreg s5  }
0x10: {  	s19 =	simm.s32 $0x80;
	s14 =	sadd.s32 $0x2600, s0;
	[dreg:$0x6] =	wrdreg s13  }
0x11: {  	s6 =	simm.s32 $0x4400;
	s15 =	sadd.s32 $0x3600, s0;
	[dreg:$0x7] =	wrdreg s14  }
0x12: {  	s4 =	simm.s32 $0x8;
	s16 =	sadd.s32 $0x4600, s0;
	[dreg:$0x8] =	wrdreg s15  }
0x13: {  	s17 =	sadd.s32 $0x1680, s0;
	s18 =	sadd.s32 $0x2680, s0;
	[dreg:$0x9] =	wrdreg s16  }
0x14: {  	s20 =	sadd.s32 $0x3680, s0;
	s21 =	smax.u32 s3, $0x1;
	[dreg:$0xa] =	wrdreg s17  }
0x15: {  	s0 =	sadd.s32 $0x4680, s0;
	[dreg:$0xb] =	wrdreg s18;
	p1 =	sne.s32 s21, $0x1  }
.Ltmp0:
0x16: {  	s3 =	simm.s32 $0x7;
	[dreg:$0xc] =	wrdreg s20;
	(pc) =	sbr.rel @!p1 .LBB2_3-.Ltmp0, $4  }
0x17: {  	[dreg:$0xd] =	wrdreg s0;
	s5 =	simm.s32 $0x400;
	s18 =	simm.s32 $0x8400  }
0x18: {  	s17 =	simm.s32 $0xC400;
	s16 =	simm.s32 $0x10400;
	s13 =	simm.s32 $0x14400  }
0x19: {  	s0 =	sadd.s32 $0xFFFFFFFF, s21;
	s21 =	simm.s32 $0x5;
	s20 =	simm.s32 $0x6  }
0x1a: {  	s15 =	simm.s32 $0x9;
	s14 =	simm.s32 $0xA;
	s1 =	rddreg [dreg:$0x4]  }
0x1b: {  	[tilespmem:s10], [sflag:$0xD] =	stream.linear.gather [hbm4b:s1+s10], $0x200, $0x38;
	[tilespmem:$0x18400] =	vst v63  }
0x1c: {  	_ =	swait.ge [sflag:s26], $0x200  }
0x1d: {  	[sflag:s26] =	ssyncset.done $0x0  }
0x1e: {  	s1 =	rddreg [dreg:$0x5];
	[sflag:s26] =	ssyncadd.s32 $0xFFFFFE00  }
0x1f: {  	[tilespmem:s25], [sflag:$0xD] =	stream.linear.gather [hbm4b:s1+s10], $0x200, $0x38;
	[tilespmem:$0x18400] =	vst v63  }
0x20: {  	_ =	swait.ge [sflag:s26], $0x200  }
0x21: {  	[sflag:s26] =	ssyncset.done $0x0  }
0x22: {  	[sflag:s26] =	ssyncadd.s32 $0xFFFFFE00  }
0x23: {  	[tilespmem:s5], [sflag:$0x1] =	stream.indirect.gather [hbm4b:s2+s19], $0x80, s10, s19, $0xb8;
	[tilespmem:$0x18400] =	vst v63  }
0x24: {  	_ = 	snop  }
0x25: {  	[tilespmem:s6], [sflag:$0x2] =	stream.indirect.gather [hbm4b:s2+s19], $0x80, s19, s19, $0xb8;
	[tilespmem:$0x18400] =	vst v63  }
0x26: {  	_ = 	snop  }
0x27: {  	[tilespmem:s18], [sflag:$0x3] =	stream.indirect.gather [hbm4b:s2+s19], $0x80, s29, s19, $0xb8;
	[tilespmem:$0x18400] =	vst v63  }
0x28: {  	_ = 	snop  }
0x29: {  	[tilespmem:s17], [sflag:$0x4] =	stream.indirect.gather [hbm4b:s2+s19], $0x80, s30, s19, $0xb8;
	[tilespmem:$0x18400] =	vst v63  }
0x2a: {  	_ = 	snop  }
0x2b: {  	[tilespmem:s16], [sflag:$0x5] =	stream.indirect.gather [hbm4b:s2+s19], $0x80, s25, s19, $0xb8;
	[tilespmem:$0x18400] =	vst v63  }
0x2c: {  	_ = 	snop  }
0x2d: {  	[tilespmem:s13], [sflag:$0x6] =	stream.indirect.gather [hbm4b:s2+s19], $0x80, s31, s19, $0xb8;
	[tilespmem:$0x18400] =	vst v63  }
0x2e: {  	_ =	swait.ge [sflag:s11], $0x4000  }
0x2f: {  	[sflag:s11] =	ssyncset.done $0x0  }
0x30: {  	s1 =	rddreg [dreg:$0x6];
	[sflag:s11] =	ssyncadd.s32 $0xFFFFC000  }
0x31: {  	[hbm4b:s1+s5] =	stream.strided.scatter [tilespmem:s5], [sflag:$0x7], $0x4000, s7, s5, $0x38;
	[tilespmem:$0x18400] =	vst v63  }
0x32: {  	_ =	swait.ge [sflag:s3], $0x4000  }
0x33: {  	[sflag:s3] =	ssyncset.done $0x0  }
0x34: {  	[sflag:s3] =	ssyncadd.s32 $0xFFFFC000  }
0x35: {  	[tilespmem:s5], [sflag:$0x1] =	stream.indirect.gather [hbm4b:s2+s19], $0x80, s28, s19, $0xb8;
	[tilespmem:$0x18400] =	vst v63  }
0x36: {  	_ =	swait.ge [sflag:s8], $0x4000  }
0x37: {  	[sflag:s8] =	ssyncset.done $0x0  }
0x38: {  	s1 =	rddreg [dreg:$0x7];
	[sflag:s8] =	ssyncadd.s32 $0xFFFFC000  }
0x39: {  	[hbm4b:s1+s5] =	stream.strided.scatter [tilespmem:s6], [sflag:$0x8], $0x4000, s7, s5, $0x38;
	[tilespmem:$0x18400] =	vst v63  }
0x3a: {  	_ =	swait.ge [sflag:s4], $0x4000  }
0x3b: {  	[sflag:s4] =	ssyncset.done $0x0  }
0x3c: {  	[sflag:s4] =	ssyncadd.s32 $0xFFFFC000  }
0x3d: {  	[tilespmem:s6], [sflag:$0x2] =	stream.indirect.gather [hbm4b:s2+s19], $0x80, s24, s19, $0xb8;
	[tilespmem:$0x18400] =	vst v63  }
0x3e: {  	_ =	swait.ge [sflag:s23], $0x4000  }
0x3f: {  	[sflag:s23] =	ssyncset.done $0x0  }
0x40: {  	s1 =	rddreg [dreg:$0x8];
	[sflag:s23] =	ssyncadd.s32 $0xFFFFC000  }
0x41: {  	[hbm4b:s1+s5] =	stream.strided.scatter [tilespmem:s18], [sflag:$0x9], $0x4000, s7, s5, $0x38;
	[tilespmem:$0x18400] =	vst v63  }
0x42: {  	_ =	swait.ge [sflag:s22], $0x4000  }
0x43: {  	[sflag:s22] =	ssyncset.done $0x0  }
0x44: {  	s1 =	rddreg [dreg:$0x9];
	[sflag:s22] =	ssyncadd.s32 $0xFFFFC000  }
0x45: {  	[hbm4b:s1+s5] =	stream.strided.scatter [tilespmem:s17], [sflag:$0xA], $0x4000, s7, s5, $0x38;
	[tilespmem:$0x18400] =	vst v63  }
0x46: {  	_ =	swait.ge [sflag:s21], $0x4000  }
0x47: {  	[sflag:s21] =	ssyncset.done $0x0  }
0x48: {  	s1 =	rddreg [dreg:$0xa];
	[sflag:s21] =	ssyncadd.s32 $0xFFFFC000  }
0x49: {  	[hbm4b:s1+s5] =	stream.strided.scatter [tilespmem:s16], [sflag:$0xB], $0x4000, s7, s5, $0x38;
	[tilespmem:$0x18400] =	vst v63  }
0x4a: {  	_ =	swait.ge [sflag:s20], $0x4000  }
0x4b: {  	[sflag:s20] =	ssyncset.done $0x0  }
0x4c: {  	s1 =	rddreg [dreg:$0xb];
	[sflag:s20] =	ssyncadd.s32 $0xFFFFC000  }
0x4d: {  	[hbm4b:s1+s5] =	stream.strided.scatter [tilespmem:s13], [sflag:$0xC], $0x4000, s7, s5, $0x38;
	[tilespmem:$0x18400] =	vst v63  }
0x4e: {  	_ =	swait.ge [sflag:s11], $0x4000  }
0x4f: {  	[sflag:s11] =	ssyncset.done $0x0  }
0x50: {  	s1 =	rddreg [dreg:$0xc];
	[sflag:s11] =	ssyncadd.s32 $0xFFFFC000  }
0x51: {  	[hbm4b:s1+s5] =	stream.strided.scatter [tilespmem:s5], [sflag:$0x7], $0x4000, s7, s5, $0x38;
	[tilespmem:$0x18400] =	vst v63  }
0x52: {  	_ =	swait.ge [sflag:s8], $0x4000  }
0x53: {  	[sflag:s8] =	ssyncset.done $0x0  }
0x54: {  	s1 =	rddreg [dreg:$0xd];
	[sflag:s8] =	ssyncadd.s32 $0xFFFFC000  }
0x55: {  	[hbm4b:s1+s5] =	stream.strided.scatter [tilespmem:s6], [sflag:$0x8], $0x4000, s7, s5, $0x38;
	[tilespmem:$0x18400] =	vst v63  }
0x56: {  	_ =	swait.ge [sflag:s15], $0x4000  }
0x57: {  	[sflag:s15] =	ssyncset.done $0x0  }
0x58: {  	[sflag:s15] =	ssyncadd.s32 $0xFFFFC000  }
0x59: {  	_ =	swait.ge [sflag:s14], $0x4000  }
0x5a: {  	[sflag:s14] =	ssyncset.done $0x0  }
0x5b: {  	[sflag:s14] =	ssyncadd.s32 $0xFFFFC000  }
0x5c: {  	_ =	swait.ge [sflag:s12], $0x4000  }
0x5d: {  	[sflag:s12] =	ssyncset.done $0x0  }
0x5e: {  	[sflag:s12] =	ssyncadd.s32 $0xFFFFC000  }
0x5f: {  	_ =	swait.ge [sflag:s9], $0x4000  }
0x60: {  	[sflag:s9] =	ssyncset.done $0x0  }
0x61: {  	p1 =	sne.s32 s0, $0x1;
	[sflag:s9] =	ssyncadd.s32 $0xFFFFC000  }
.Ltmp1:
0x62: {  	_ =	swait.ge [sflag:s3], $0x4000;
	(pc) =	sbr.rel @!p1 .LBB2_3-.Ltmp1, $4  }
0x63: {  	[sflag:s3] =	ssyncset.done $0x0  }
0x64: {  	[sflag:s3] =	ssyncadd.s32 $0xFFFFC000  }
0x65: {  	s0 =	sadd.s32 $0xFFFFFFFF, s0;
	_ =	swait.ge [sflag:s4], $0x4000  }
0x66: {  	p0 =	por $0x1, $0x1;
	s1 =	rddreg [dreg:$0x4];
	[sflag:s4] =	ssyncset.done $0x0  }
.LBB2_2:
0x67: {  	[sflag:s4] =	ssyncadd.s32 $0xFFFFC000  }
0x68: {  	[tilespmem:s10], [sflag:$0xD] =	stream.linear.gather [hbm4b:s1+s10], $0x200, $0x38;
	[tilespmem:$0x18400] =	vst v63  }
0x69: {  	_ =	swait.ge [sflag:s26], $0x200  }
0x6a: {  	[sflag:s26] =	ssyncset.done $0x0  }
0x6b: {  	s1 =	rddreg [dreg:$0x5];
	[sflag:s26] =	ssyncadd.s32 $0xFFFFFE00  }
0x6c: {  	[tilespmem:s25], [sflag:$0xD] =	stream.linear.gather [hbm4b:s1+s10], $0x200, $0x38;
	[tilespmem:$0x18400] =	vst v63  }
0x6d: {  	_ =	swait.ge [sflag:s26], $0x200  }
0x6e: {  	[sflag:s26] =	ssyncset.done $0x0  }
0x6f: {  	[sflag:s26] =	ssyncadd.s32 $0xFFFFFE00  }
0x70: {  	[tilespmem:s5], [sflag:$0x1] =	stream.indirect.gather [hbm4b:s2+s19], $0x80, s10, s19, $0xb8;
	[tilespmem:$0x18400] =	vst v63  }
0x71: {  	_ = 	snop  }
0x72: {  	[tilespmem:s6], [sflag:$0x2] =	stream.indirect.gather [hbm4b:s2+s19], $0x80, s19, s19, $0xb8;
	[tilespmem:$0x18400] =	vst v63  }
0x73: {  	_ = 	snop  }
0x74: {  	[tilespmem:s18], [sflag:$0x3] =	stream.indirect.gather [hbm4b:s2+s19], $0x80, s29, s19, $0xb8;
	[tilespmem:$0x18400] =	vst v63  }
0x75: {  	_ = 	snop  }
0x76: {  	[tilespmem:s17], [sflag:$0x4] =	stream.indirect.gather [hbm4b:s2+s19], $0x80, s30, s19, $0xb8;
	[tilespmem:$0x18400] =	vst v63  }
0x77: {  	_ = 	snop  }
0x78: {  	[tilespmem:s16], [sflag:$0x5] =	stream.indirect.gather [hbm4b:s2+s19], $0x80, s25, s19, $0xb8;
	[tilespmem:$0x18400] =	vst v63  }
0x79: {  	_ = 	snop  }
0x7a: {  	[tilespmem:s13], [sflag:$0x6] =	stream.indirect.gather [hbm4b:s2+s19], $0x80, s31, s19, $0xb8;
	[tilespmem:$0x18400] =	vst v63  }
0x7b: {  	_ =	swait.ge [sflag:s11], $0x4000  }
0x7c: {  	[sflag:s11] =	ssyncset.done $0x0  }
0x7d: {  	s1 =	rddreg [dreg:$0x6];
	[sflag:s11] =	ssyncadd.s32 $0xFFFFC000  }
0x7e: {  	[hbm4b:s1+s5] =	stream.strided.scatter [tilespmem:s5], [sflag:$0x7], $0x4000, s7, s5, $0x38;
	[tilespmem:$0x18400] =	vst v63  }
0x7f: {  	_ =	swait.ge [sflag:s3], $0x4000  }
0x80: {  	[sflag:s3] =	ssyncset.done $0x0  }
0x81: {  	[sflag:s3] =	ssyncadd.s32 $0xFFFFC000  }
0x82: {  	[tilespmem:s5], [sflag:$0x1] =	stream.indirect.gather [hbm4b:s2+s19], $0x80, s28, s19, $0xb8;
	[tilespmem:$0x18400] =	vst v63  }
0x83: {  	_ =	swait.ge [sflag:s8], $0x4000  }
0x84: {  	[sflag:s8] =	ssyncset.done $0x0  }
0x85: {  	s1 =	rddreg [dreg:$0x7];
	[sflag:s8] =	ssyncadd.s32 $0xFFFFC000  }
0x86: {  	[hbm4b:s1+s5] =	stream.strided.scatter [tilespmem:s6], [sflag:$0x8], $0x4000, s7, s5, $0x38;
	[tilespmem:$0x18400] =	vst v63  }
0x87: {  	_ =	swait.ge [sflag:s4], $0x4000  }
0x88: {  	[sflag:s4] =	ssyncset.done $0x0  }
0x89: {  	[sflag:s4] =	ssyncadd.s32 $0xFFFFC000  }
0x8a: {  	[tilespmem:s6], [sflag:$0x2] =	stream.indirect.gather [hbm4b:s2+s19], $0x80, s24, s19, $0xb8;
	[tilespmem:$0x18400] =	vst v63  }
0x8b: {  	_ =	swait.ge [sflag:s23], $0x4000  }
0x8c: {  	[sflag:s23] =	ssyncset.done $0x0  }
0x8d: {  	s1 =	rddreg [dreg:$0x8];
	[sflag:s23] =	ssyncadd.s32 $0xFFFFC000  }
0x8e: {  	[hbm4b:s1+s5] =	stream.strided.scatter [tilespmem:s18], [sflag:$0x9], $0x4000, s7, s5, $0x38;
	[tilespmem:$0x18400] =	vst v63  }
0x8f: {  	_ =	swait.ge [sflag:s22], $0x4000  }
0x90: {  	[sflag:s22] =	ssyncset.done $0x0  }
0x91: {  	s1 =	rddreg [dreg:$0x9];
	[sflag:s22] =	ssyncadd.s32 $0xFFFFC000  }
0x92: {  	[hbm4b:s1+s5] =	stream.strided.scatter [tilespmem:s17], [sflag:$0xA], $0x4000, s7, s5, $0x38;
	[tilespmem:$0x18400] =	vst v63  }
0x93: {  	_ =	swait.ge [sflag:s21], $0x4000  }
0x94: {  	[sflag:s21] =	ssyncset.done $0x0  }
0x95: {  	s1 =	rddreg [dreg:$0xa];
	[sflag:s21] =	ssyncadd.s32 $0xFFFFC000  }
0x96: {  	[hbm4b:s1+s5] =	stream.strided.scatter [tilespmem:s16], [sflag:$0xB], $0x4000, s7, s5, $0x38;
	[tilespmem:$0x18400] =	vst v63  }
0x97: {  	_ =	swait.ge [sflag:s20], $0x4000  }
0x98: {  	[sflag:s20] =	ssyncset.done $0x0  }
0x99: {  	s1 =	rddreg [dreg:$0xb];
	[sflag:s20] =	ssyncadd.s32 $0xFFFFC000  }
0x9a: {  	[hbm4b:s1+s5] =	stream.strided.scatter [tilespmem:s13], [sflag:$0xC], $0x4000, s7, s5, $0x38;
	[tilespmem:$0x18400] =	vst v63  }
0x9b: {  	_ =	swait.ge [sflag:s11], $0x4000  }
0x9c: {  	[sflag:s11] =	ssyncset.done $0x0  }
0x9d: {  	s1 =	rddreg [dreg:$0xc];
	[sflag:s11] =	ssyncadd.s32 $0xFFFFC000  }
0x9e: {  	[hbm4b:s1+s5] =	stream.strided.scatter [tilespmem:s5], [sflag:$0x7], $0x4000, s7, s5, $0x38;
	[tilespmem:$0x18400] =	vst v63  }
0x9f: {  	_ =	swait.ge [sflag:s8], $0x4000  }
0xa0: {  	[sflag:s8] =	ssyncset.done $0x0  }
0xa1: {  	s1 =	rddreg [dreg:$0xd];
	[sflag:s8] =	ssyncadd.s32 $0xFFFFC000  }
0xa2: {  	[hbm4b:s1+s5] =	stream.strided.scatter [tilespmem:s6], [sflag:$0x8], $0x4000, s7, s5, $0x38;
	[tilespmem:$0x18400] =	vst v63  }
0xa3: {  	_ =	swait.ge [sflag:s15], $0x4000  }
0xa4: {  	[sflag:s15] =	ssyncset.done $0x0  }
0xa5: {  	[sflag:s15] =	ssyncadd.s32 $0xFFFFC000  }
0xa6: {  	_ =	swait.ge [sflag:s14], $0x4000  }
0xa7: {  	[sflag:s14] =	ssyncset.done $0x0  }
0xa8: {  	[sflag:s14] =	ssyncadd.s32 $0xFFFFC000  }
0xa9: {  	_ =	swait.ge [sflag:s12], $0x4000  }
0xaa: {  	[sflag:s12] =	ssyncset.done $0x0  }
0xab: {  	[sflag:s12] =	ssyncadd.s32 $0xFFFFC000  }
0xac: {  	_ =	swait.ge [sflag:s9], $0x4000  }
0xad: {  	[sflag:s9] =	ssyncset.done $0x0  }
0xae: {  	p1 =	sne.s32 s0, $0x1;
	[sflag:s9] =	ssyncadd.s32 $0xFFFFC000  }
.Ltmp2:
0xaf: {  	_ =	swait.ge [sflag:s3], $0x4000;
	(pc) =	sbr.rel @p1 .LBB2_2-.Ltmp2, $4  }
0xb0: {  	[sflag:s3] =	ssyncset.done $0x0  }
0xb1: {  	[sflag:s3] =	ssyncadd.s32 $0xFFFFC000  }
0xb2: {  	_ =	swait.ge [sflag:s4], $0x4000  }
0xb3: {  	s0 =	sadd.s32 $0xFFFFFFFF, s0;
	s1 =	rddreg [dreg:$0x4];
	[sflag:s4] =	ssyncset.done $0x0  }
.LBB2_3:
0xb4: {  	[sflag:s4] =	ssyncadd.s32 @p0 $0xFFFFC000  }
0xb5: {  	[tilespmem:s10], [sflag:$0xD] =	stream.linear.gather [hbm4b:s1+s10], $0x200, $0x38;
	[tilespmem:$0x18400] =	vst v63  }
0xb6: {  	_ =	swait.ge [sflag:s26], $0x200  }
0xb7: {  	[sflag:s26] =	ssyncset.done $0x0  }
0xb8: {  	s0 =	rddreg [dreg:$0x5];
	[sflag:s26] =	ssyncadd.s32 $0xFFFFFE00  }
0xb9: {  	[tilespmem:s25], [sflag:$0xD] =	stream.linear.gather [hbm4b:s0+s10], $0x200, $0x38;
	[tilespmem:$0x18400] =	vst v63  }
0xba: {  	_ =	swait.ge [sflag:s26], $0x200  }
0xbb: {  	[sflag:s26] =	ssyncset.done $0x0  }
0xbc: {  	[sflag:s26] =	ssyncadd.s32 $0xFFFFFE00  }
0xbd: {  	[tilespmem:s5], [sflag:$0x1] =	stream.indirect.gather [hbm4b:s2+s19], $0x80, s10, s19, $0xb8;
	[tilespmem:$0x18400] =	vst v63  }
0xbe: {  	_ = 	snop  }
0xbf: {  	[tilespmem:s6], [sflag:$0x2] =	stream.indirect.gather [hbm4b:s2+s19], $0x80, s19, s19, $0xb8;
	[tilespmem:$0x18400] =	vst v63  }
0xc0: {  	_ = 	snop  }
0xc1: {  	[tilespmem:s18], [sflag:$0x3] =	stream.indirect.gather [hbm4b:s2+s19], $0x80, s29, s19, $0xb8;
	[tilespmem:$0x18400] =	vst v63  }
0xc2: {  	_ = 	snop  }
0xc3: {  	[tilespmem:s17], [sflag:$0x4] =	stream.indirect.gather [hbm4b:s2+s19], $0x80, s30, s19, $0xb8;
	[tilespmem:$0x18400] =	vst v63  }
0xc4: {  	_ = 	snop  }
0xc5: {  	[tilespmem:s16], [sflag:$0x5] =	stream.indirect.gather [hbm4b:s2+s19], $0x80, s25, s19, $0xb8;
	[tilespmem:$0x18400] =	vst v63  }
0xc6: {  	_ = 	snop  }
0xc7: {  	[tilespmem:s13], [sflag:$0x6] =	stream.indirect.gather [hbm4b:s2+s19], $0x80, s31, s19, $0xb8;
	[tilespmem:$0x18400] =	vst v63  }
0xc8: {  	_ =	swait.ge [sflag:s11], $0x4000  }
0xc9: {  	[sflag:s11] =	ssyncset.done $0x0  }
0xca: {  	s1 =	rddreg [dreg:$0x6];
	[sflag:s11] =	ssyncadd.s32 $0xFFFFC000  }
0xcb: {  	[hbm4b:s1+s5] =	stream.strided.scatter [tilespmem:s5], [sflag:$0x7], $0x4000, s7, s5, $0x38;
	[tilespmem:$0x18400] =	vst v63  }
0xcc: {  	_ =	swait.ge [sflag:s3], $0x4000  }
0xcd: {  	[sflag:s3] =	ssyncset.done $0x0  }
0xce: {  	[sflag:s3] =	ssyncadd.s32 $0xFFFFC000  }
0xcf: {  	[tilespmem:s5], [sflag:$0x1] =	stream.indirect.gather [hbm4b:s2+s19], $0x80, s28, s19, $0xb8;
	[tilespmem:$0x18400] =	vst v63  }
0xd0: {  	_ =	swait.ge [sflag:s8], $0x4000  }
0xd1: {  	[sflag:s8] =	ssyncset.done $0x0  }
0xd2: {  	s10 =	rddreg [dreg:$0x7];
	[sflag:s8] =	ssyncadd.s32 $0xFFFFC000  }
0xd3: {  	[hbm4b:s10+s5] =	stream.strided.scatter [tilespmem:s6], [sflag:$0x8], $0x4000, s7, s5, $0x38;
	[tilespmem:$0x18400] =	vst v63  }
0xd4: {  	_ =	swait.ge [sflag:s4], $0x4000  }
0xd5: {  	[sflag:s4] =	ssyncset.done $0x0  }
0xd6: {  	[sflag:s4] =	ssyncadd.s32 $0xFFFFC000  }
0xd7: {  	[tilespmem:s6], [sflag:$0x2] =	stream.indirect.gather [hbm4b:s2+s19], $0x80, s24, s19, $0xb8;
	[tilespmem:$0x18400] =	vst v63  }
0xd8: {  	_ =	swait.ge [sflag:s23], $0x4000  }
0xd9: {  	[sflag:s23] =	ssyncset.done $0x0  }
0xda: {  	s24 =	rddreg [dreg:$0x8];
	[sflag:s23] =	ssyncadd.s32 $0xFFFFC000  }
0xdb: {  	[hbm4b:s24+s5] =	stream.strided.scatter [tilespmem:s18], [sflag:$0x9], $0x4000, s7, s5, $0x38;
	[tilespmem:$0x18400] =	vst v63  }
0xdc: {  	_ =	swait.ge [sflag:s22], $0x4000  }
0xdd: {  	[sflag:s22] =	ssyncset.done $0x0  }
0xde: {  	s25 =	rddreg [dreg:$0x9];
	[sflag:s22] =	ssyncadd.s32 $0xFFFFC000  }
0xdf: {  	[hbm4b:s25+s5] =	stream.strided.scatter [tilespmem:s17], [sflag:$0xA], $0x4000, s7, s5, $0x38;
	[tilespmem:$0x18400] =	vst v63  }
0xe0: {  	_ =	swait.ge [sflag:s21], $0x4000  }
0xe1: {  	[sflag:s21] =	ssyncset.done $0x0  }
0xe2: {  	s26 =	rddreg [dreg:$0xa];
	[sflag:s21] =	ssyncadd.s32 $0xFFFFC000  }
0xe3: {  	[hbm4b:s26+s5] =	stream.strided.scatter [tilespmem:s16], [sflag:$0xB], $0x4000, s7, s5, $0x38;
	[tilespmem:$0x18400] =	vst v63  }
0xe4: {  	_ =	swait.ge [sflag:s20], $0x4000  }
0xe5: {  	[sflag:s20] =	ssyncset.done $0x0  }
0xe6: {  	s28 =	rddreg [dreg:$0xb];
	[sflag:s20] =	ssyncadd.s32 $0xFFFFC000  }
0xe7: {  	[hbm4b:s28+s5] =	stream.strided.scatter [tilespmem:s13], [sflag:$0xC], $0x4000, s7, s5, $0x38;
	[tilespmem:$0x18400] =	vst v63  }
0xe8: {  	_ =	swait.ge [sflag:s11], $0x4000  }
0xe9: {  	[sflag:s11] =	ssyncset.done $0x0  }
0xea: {  	s29 =	rddreg [dreg:$0xc];
	[sflag:s11] =	ssyncadd.s32 $0xFFFFC000  }
0xeb: {  	[hbm4b:s29+s5] =	stream.strided.scatter [tilespmem:s5], [sflag:$0x7], $0x4000, s7, s5, $0x38;
	[tilespmem:$0x18400] =	vst v63  }
0xec: {  	_ =	swait.ge [sflag:s8], $0x4000  }
0xed: {  	[sflag:s8] =	ssyncset.done $0x0  }
0xee: {  	s30 =	rddreg [dreg:$0xd];
	[sflag:s8] =	ssyncadd.s32 $0xFFFFC000  }
0xef: {  	[hbm4b:s30+s5] =	stream.strided.scatter [tilespmem:s6], [sflag:$0x8], $0x4000, s7, s5, $0x38;
	[tilespmem:$0x18400] =	vst v63  }
0xf0: {  	_ =	swait.ge [sflag:s15], $0x4000  }
0xf1: {  	[sflag:s15] =	ssyncset.done $0x0  }
0xf2: {  	[sflag:s15] =	ssyncadd.s32 $0xFFFFC000  }
0xf3: {  	_ =	swait.ge [sflag:s14], $0x4000  }
0xf4: {  	[sflag:s14] =	ssyncset.done $0x0  }
0xf5: {  	[sflag:s14] =	ssyncadd.s32 $0xFFFFC000  }
0xf6: {  	_ =	swait.ge [sflag:s12], $0x4000  }
0xf7: {  	[sflag:s12] =	ssyncset.done $0x0  }
0xf8: {  	[sflag:s12] =	ssyncadd.s32 $0xFFFFC000  }
0xf9: {  	_ =	swait.ge [sflag:s9], $0x4000  }
0xfa: {  	[sflag:s9] =	ssyncset.done $0x0  }
0xfb: {  	[sflag:s9] =	ssyncadd.s32 $0xFFFFC000  }
0xfc: {  	_ =	swait.ge [sflag:s3], $0x4000  }
0xfd: {  	[sflag:s3] =	ssyncset.done $0x0  }
0xfe: {  	[sflag:s3] =	ssyncadd.s32 $0xFFFFC000  }
0xff: {  	_ =	swait.ge [sflag:s4], $0x4000  }
0x100: {  	[sflag:s4] =	ssyncset.done $0x0  }
0x101: {  	[sflag:s4] =	ssyncadd.s32 $0xFFFFC000  }
0x102: {  	_ =	sfence.sel $0x180000  }
0x103: {  	[bflag:$0x0] =	sbarrier.arrive $0xFFFF  }
0x104: {  	_ =	strace $0x90000047  }
0x105: {  	s31 =	stileid.u32;
	[bflag:$0x2] =	sbarrier.arrive $0xFFFF  }
0x106: {  	p0 =	sne.s32 s31, $0x0;
	s0 =	rddreg [dreg:$0x3]  }
0x107: {  	s0 =	sadd.s32 @!p0 $0x100000, s0  }
0x108: {  	[sflag:s0] =	ssyncadd.tile.s32 @!p0 $0x1;
	_ =	shalt  }
.Lfunc_end2:
_tile_overlayer_lowered:
.L_overlay_start_2:
0x109: {  	(tag) =	ssettag $0x2  }
0x10a: {  	s0 =	rddreg [dreg:$0x0];
	s2 =	stileid.u32  }
0x10b: {  	s1 =	rddreg [dreg:$0x1];
	p0 =	sne.s32 s2, $0x0  }
0x10c: {  	s3 =	rddreg [dreg:$0x2];
	[bflag:$0x3] =	sbarrier.arrive $0xFFFF;
	s2 =	simm.s32 @!p0 $0x1C0D  }
0x10d: {  	[timem:s3], [sflag:s2] =	dma.local @!p0 [hbm:s0], s1  }
0x10e: {  	s0 =	simm.s32 @!p0 $0xD  }
0x10f: {  	_ =	swait.ge @!p0 [sflag:s0], s1  }
0x110: {  	s1 =	ssub.s32 @!p0 $0x0, s1;
	[sflag:s0] =	ssyncset.done @!p0 $0x0  }
0x111: {  	[sflag:s0] =	ssyncadd.s32 @!p0 s1  }
0x112: {  	[bflag:$0x3] =	sbarrier.arrive $0xFFFF  }
0x113: {  	_ =	shalt  }

</sc_bundles>
